<compile_context>
chip_gen: v7x
topology: tpu7x:2x2x1
jax: 0.10.2.dev20260603
libtpu: 0.0.44.dev20260713+nightly
codegen_flags: <defaults>
</compile_context>

<pallas_src>
import functools

import jax
import jax.numpy as jnp
from jax import lax
from jax.experimental import pallas as pl

_PROPOSAL_COUNT = 2000
_NMS_THRESHOLD = 0.7
_PRE_NMS_LIMIT = 6000
_LANES = 128


def _nms_kernel(an_ref, de_ref, boxes_ref, keep_ref, *, n_real, rows):
    ay1 = an_ref[0, 0]
    ax1 = an_ref[0, 1]
    ay2 = an_ref[0, 2]
    ax2 = an_ref[0, 3]
    dy = de_ref[0, 0] * 0.1
    dx = de_ref[0, 1] * 0.1
    dh = de_ref[0, 2] * 0.2
    dw = de_ref[0, 3] * 0.2

    h = ay2 - ay1
    w = ax2 - ax1
    cy = ay1 + 0.5 * h + dy * h
    cx = ax1 + 0.5 * w + dx * w
    h = h * jnp.exp(dh)
    w = w * jnp.exp(dw)
    y1u = cy - 0.5 * h
    x1u = cx - 0.5 * w
    y1 = jnp.clip(y1u, 0.0, 1.0)
    x1 = jnp.clip(x1u, 0.0, 1.0)
    y2 = jnp.clip(y1u + h, 0.0, 1.0)
    x2 = jnp.clip(x1u + w, 0.0, 1.0)
    area = (y2 - y1) * (x2 - x1)

    idx2d = (
        lax.broadcasted_iota(jnp.int32, (rows, _LANES), 0) * _LANES
        + lax.broadcasted_iota(jnp.int32, (rows, _LANES), 1)
    )

    def body(i, keep):
        onehot = idx2d == i
        zero = jnp.zeros_like(y1)
        active = jnp.sum(jnp.where(onehot, keep, zero))
        yi1 = jnp.sum(jnp.where(onehot, y1, zero))
        xi1 = jnp.sum(jnp.where(onehot, x1, zero))
        yi2 = jnp.sum(jnp.where(onehot, y2, zero))
        xi2 = jnp.sum(jnp.where(onehot, x2, zero))
        ai = (yi2 - yi1) * (xi2 - xi1)
        ih = jnp.maximum(jnp.minimum(y2, yi2) - jnp.maximum(y1, yi1), 0.0)
        iw = jnp.maximum(jnp.minimum(x2, xi2) - jnp.maximum(x1, xi1), 0.0)
        inter = ih * iw
        union = jnp.maximum(area + ai - inter, 1e-8)
        iou = inter / union
        sup = (iou > _NMS_THRESHOLD) & (idx2d > i) & (active > 0.0)
        return jnp.where(sup, 0.0, keep)

    keep = lax.fori_loop(0, n_real, body, jnp.ones((rows, _LANES), jnp.float32))

    boxes_ref[0, 0] = y1
    boxes_ref[0, 1] = x1
    boxes_ref[0, 2] = y2
    boxes_ref[0, 3] = x2
    keep_ref[0] = keep


@jax.jit
def kernel(rpn_probs, rpn_bbox, anchors):
    b, n, _ = anchors.shape
    pre = min(_PRE_NMS_LIMIT, n)
    rows = -(-pre // _LANES)
    n_pad = rows * _LANES

    scores = rpn_probs[:, :, 1]
    _, ix = lax.top_k(scores, pre)
    deltas_g = jnp.take_along_axis(rpn_bbox, ix[:, :, None], axis=1)
    anchors_g = jnp.take_along_axis(anchors, ix[:, :, None], axis=1)

    def to_tiles(x):
        x = jnp.pad(x, ((0, 0), (0, n_pad - pre), (0, 0)))
        return x.transpose(0, 2, 1).reshape(b, 4, rows, _LANES)

    an_t = to_tiles(anchors_g)
    de_t = to_tiles(deltas_g)

    boxes_t, keep_t = pl.pallas_call(
        functools.partial(_nms_kernel, n_real=pre, rows=rows),
        grid=(b,),
        in_specs=[
            pl.BlockSpec((1, 4, rows, _LANES), lambda i: (i, 0, 0, 0)),
            pl.BlockSpec((1, 4, rows, _LANES), lambda i: (i, 0, 0, 0)),
        ],
        out_specs=[
            pl.BlockSpec((1, 4, rows, _LANES), lambda i: (i, 0, 0, 0)),
            pl.BlockSpec((1, rows, _LANES), lambda i: (i, 0, 0)),
        ],
        out_shape=[
            jax.ShapeDtypeStruct((b, 4, rows, _LANES), jnp.float32),
            jax.ShapeDtypeStruct((b, rows, _LANES), jnp.float32),
        ],
        interpret=False,
    )(an_t, de_t)

    boxes = boxes_t.reshape(b, 4, n_pad).transpose(0, 2, 1)
    keep = keep_t.reshape(b, n_pad) > 0.0

    arange = jnp.arange(n_pad, dtype=jnp.int32)
    kept_idx = jnp.where(keep & (arange[None, :] < pre), arange[None, :], pre)
    idx = jnp.sort(kept_idx, axis=1)[:, :_PROPOSAL_COUNT]
    valid = idx < pre
    safe = jnp.minimum(idx, pre - 1)
    props = jnp.take_along_axis(boxes, safe[:, :, None], axis=1)
    return jnp.where(valid[:, :, None], props, 0.0)

# --- scband reference (transcript-rebuilt; emitter-appended) ---
"""Pipeline reference for scband-proposal-layer-53747220742218 (READ-ONLY COPY).

The authoritative reference and input builder live on the scoring server;
editing this copy changes nothing except your own understanding.
"""

import jax, jax.numpy as jnp
import numpy as np
from jax import lax

B = 2
N = 261888
PROPOSAL_COUNT = 2000
NMS_THRESHOLD = 0.7
PRE_NMS_LIMIT = 6000
RPN_BBOX_STD_DEV = np.array([0.1, 0.1, 0.2, 0.2], dtype=np.float32)


def setup_inputs(seed: int = 0):
    key = jax.random.key(seed)
    k1, k2, k3 = jax.random.split(key, 3)
    rpn_probs = jax.random.uniform(k1, (B, N, 2), dtype=jnp.float32)
    rpn_bbox = jax.random.normal(k2, (B, N, 4), dtype=jnp.float32)
    anchors = jax.random.uniform(k3, (B, N, 4), dtype=jnp.float32)
    return {"rpn_probs": rpn_probs, "rpn_bbox": rpn_bbox, "anchors": anchors}


def apply_box_deltas(boxes, deltas):
    height = boxes[..., 2] - boxes[..., 0]
    width = boxes[..., 3] - boxes[..., 1]
    center_y = boxes[..., 0] + 0.5 * height
    center_x = boxes[..., 1] + 0.5 * width
    center_y = center_y + deltas[..., 0] * height
    center_x = center_x + deltas[..., 1] * width
    height = height * jnp.exp(deltas[..., 2])
    width = width * jnp.exp(deltas[..., 3])
    y1 = center_y - 0.5 * height
    x1 = center_x - 0.5 * width
    y2 = y1 + height
    x2 = x1 + width
    return jnp.stack([y1, x1, y2, x2], axis=-1)


def clip_boxes(boxes):
    return jnp.clip(boxes, 0.0, 1.0)


def pairwise_iou(boxes):
    y1, x1, y2, x2 = boxes[:, 0], boxes[:, 1], boxes[:, 2], boxes[:, 3]
    area = (y2 - y1) * (x2 - x1)
    iy1 = jnp.maximum(y1[:, None], y1[None, :])
    ix1 = jnp.maximum(x1[:, None], x1[None, :])
    iy2 = jnp.minimum(y2[:, None], y2[None, :])
    ix2 = jnp.minimum(x2[:, None], x2[None, :])
    ih = jnp.maximum(iy2 - iy1, 0.0)
    iw = jnp.maximum(ix2 - ix1, 0.0)
    inter = ih * iw
    union = area[:, None] + area[None, :] - inter
    return inter / jnp.maximum(union, 1e-8)


def nms_single(boxes, scores):
    # boxes are already sorted by score descending (from top_k, sorted=True)
    n = boxes.shape[0]
    iou = pairwise_iou(lax.stop_gradient(boxes))
    arange = jnp.arange(n)

    def body(keep, i):
        active = keep[i]
        sup = (iou[i] > NMS_THRESHOLD) & (arange > i)
        keep = jnp.where(active, keep & (~sup), keep)
        return keep, None

    keep, _ = lax.scan(body, jnp.ones(n, dtype=bool), arange)
    idx = jnp.sort(jnp.where(keep, arange, n))[:PROPOSAL_COUNT]
    valid = idx < n
    safe = jnp.minimum(idx, n - 1)
    props = jnp.where(valid[:, None], boxes[safe], 0.0)  # pad with zeros like tf.pad
    return props


def reference(rpn_probs, rpn_bbox, anchors):
    scores = rpn_probs[:, :, 1]
    deltas = rpn_bbox * jnp.asarray(RPN_BBOX_STD_DEV).reshape(1, 1, 4)
    pre = min(PRE_NMS_LIMIT, anchors.shape[1])
    top_scores, ix = lax.top_k(scores, pre)
    deltas_g = jnp.take_along_axis(deltas, ix[:, :, None], axis=1)
    anchors_g = jnp.take_along_axis(anchors, ix[:, :, None], axis=1)
    boxes = apply_box_deltas(anchors_g, deltas_g)
    boxes = clip_boxes(boxes)
    proposals = jax.vmap(nms_single)(boxes, top_scores)
    return proposals

if __name__ == "__main__":
    import jax
    _d = setup_inputs()
    print(jax.jit(kernel)(*tuple(_d.values())))

</pallas_src>

<mosaic_0001>
module attributes {stable_mosaic.version = 14 : i64} {
  func.func @_nms_kernel(%arg0: i32, %arg1: memref<1x4x47x128xf32, #tpu.memory_space<vmem>>, %arg2: memref<1x4x47x128xf32, #tpu.memory_space<vmem>>, %arg3: memref<1x4x47x128xf32, #tpu.memory_space<vmem>>, %arg4: memref<1x47x128xf32, #tpu.memory_space<vmem>>) attributes {dimension_semantics = [#tpu.dimension_semantics<arbitrary>], iteration_bounds = array<i64: 2>, scalar_prefetch = 0 : i64, scratch_operands = 0 : i64, tpu.core_type = #tpu.core_type<tc>, window_params = [{transform_indices = @transform_0, window_bounds = array<i64: 1, 4, 47, 128>}, {transform_indices = @transform_1, window_bounds = array<i64: 1, 4, 47, 128>}, {transform_indices = @transform_2, window_bounds = array<i64: 1, 4, 47, 128>}, {transform_indices = @transform_3, window_bounds = array<i64: 1, 47, 128>}]} {
    %get3A = arith.constant 0 : index
    %get3A_0 = arith.constant 0 : index
    %get3A_1 = arith.constant 0 : index
    %get3A_2 = arith.constant 0 : index
    %get3A_3 = vector.load %arg1[%get3A, %get3A_0, %get3A_1, %get3A_2] : memref<1x4x47x128xf32, #tpu.memory_space<vmem>>, vector<1x1x47x128xf32>
    %get3A_4 = vector.shape_cast %get3A_3 : vector<1x1x47x128xf32> to vector<47x128xf32>
    %get3A_5 = arith.constant 0 : index
    %get3A_6 = arith.constant 1 : index
    %get3A_7 = arith.constant 0 : index
    %get3A_8 = arith.constant 0 : index
    %get3A_9 = vector.load %arg1[%get3A_5, %get3A_6, %get3A_7, %get3A_8] : memref<1x4x47x128xf32, #tpu.memory_space<vmem>>, vector<1x1x47x128xf32>
    %get3A_10 = vector.shape_cast %get3A_9 : vector<1x1x47x128xf32> to vector<47x128xf32>
    %get3A_11 = arith.constant 0 : index
    %get3A_12 = arith.constant 2 : index
    %get3A_13 = arith.constant 0 : index
    %get3A_14 = arith.constant 0 : index
    %get3A_15 = vector.load %arg1[%get3A_11, %get3A_12, %get3A_13, %get3A_14] : memref<1x4x47x128xf32, #tpu.memory_space<vmem>>, vector<1x1x47x128xf32>
    %get3A_16 = vector.shape_cast %get3A_15 : vector<1x1x47x128xf32> to vector<47x128xf32>
    %get3A_17 = arith.constant 0 : index
    %get3A_18 = arith.constant 3 : index
    %get3A_19 = arith.constant 0 : index
    %get3A_20 = arith.constant 0 : index
    %get3A_21 = vector.load %arg1[%get3A_17, %get3A_18, %get3A_19, %get3A_20] : memref<1x4x47x128xf32, #tpu.memory_space<vmem>>, vector<1x1x47x128xf32>
    %get3A_22 = vector.shape_cast %get3A_21 : vector<1x1x47x128xf32> to vector<47x128xf32>
    %get3A_23 = arith.constant 0 : index
    %get3A_24 = arith.constant 0 : index
    %get3A_25 = arith.constant 0 : index
    %get3A_26 = arith.constant 0 : index
    %get3A_27 = vector.load %arg2[%get3A_23, %get3A_24, %get3A_25, %get3A_26] : memref<1x4x47x128xf32, #tpu.memory_space<vmem>>, vector<1x1x47x128xf32>
    %get3A_28 = vector.shape_cast %get3A_27 : vector<1x1x47x128xf32> to vector<47x128xf32>
    %mul3A = arith.constant 1.000000e-01 : f32
    %mul3A_29 = vector.broadcast %mul3A : f32 to vector<47x128xf32>
    %mul3A_30 = arith.mulf %get3A_28, %mul3A_29 : vector<47x128xf32>
    %get3A_31 = arith.constant 0 : index
    %get3A_32 = arith.constant 1 : index
    %get3A_33 = arith.constant 0 : index
    %get3A_34 = arith.constant 0 : index
    %get3A_35 = vector.load %arg2[%get3A_31, %get3A_32, %get3A_33, %get3A_34] : memref<1x4x47x128xf32, #tpu.memory_space<vmem>>, vector<1x1x47x128xf32>
    %get3A_36 = vector.shape_cast %get3A_35 : vector<1x1x47x128xf32> to vector<47x128xf32>
    %mul3A_37 = arith.constant 1.000000e-01 : f32
    %mul3A_38 = vector.broadcast %mul3A_37 : f32 to vector<47x128xf32>
    %mul3A_39 = arith.mulf %get3A_36, %mul3A_38 : vector<47x128xf32>
    %get3A_40 = arith.constant 0 : index
    %get3A_41 = arith.constant 2 : index
    %get3A_42 = arith.constant 0 : index
    %get3A_43 = arith.constant 0 : index
    %get3A_44 = vector.load %arg2[%get3A_40, %get3A_41, %get3A_42, %get3A_43] : memref<1x4x47x128xf32, #tpu.memory_space<vmem>>, vector<1x1x47x128xf32>
    %get3A_45 = vector.shape_cast %get3A_44 : vector<1x1x47x128xf32> to vector<47x128xf32>
    %mul3A_46 = arith.constant 2.000000e-01 : f32
    %mul3A_47 = vector.broadcast %mul3A_46 : f32 to vector<47x128xf32>
    %mul3A_48 = arith.mulf %get3A_45, %mul3A_47 : vector<47x128xf32>
    %get3A_49 = arith.constant 0 : index
    %get3A_50 = arith.constant 3 : index
    %get3A_51 = arith.constant 0 : index
    %get3A_52 = arith.constant 0 : index
    %get3A_53 = vector.load %arg2[%get3A_49, %get3A_50, %get3A_51, %get3A_52] : memref<1x4x47x128xf32, #tpu.memory_space<vmem>>, vector<1x1x47x128xf32>
    %get3A_54 = vector.shape_cast %get3A_53 : vector<1x1x47x128xf32> to vector<47x128xf32>
    %mul3A_55 = arith.constant 2.000000e-01 : f32
    %mul3A_56 = vector.broadcast %mul3A_55 : f32 to vector<47x128xf32>
    %mul3A_57 = arith.mulf %get3A_54, %mul3A_56 : vector<47x128xf32>
    %sub3A = arith.subf %get3A_16, %get3A_4 : vector<47x128xf32>
    %sub3A_58 = arith.subf %get3A_22, %get3A_10 : vector<47x128xf32>
    %mul3A_59 = arith.constant 5.000000e-01 : f32
    %mul3A_60 = vector.broadcast %mul3A_59 : f32 to vector<47x128xf32>
    %mul3A_61 = arith.mulf %mul3A_60, %sub3A : vector<47x128xf32>
    %add3A = arith.addf %get3A_4, %mul3A_61 : vector<47x128xf32>
    %mul3A_62 = arith.mulf %mul3A_30, %sub3A : vector<47x128xf32>
    %add3A_63 = arith.addf %add3A, %mul3A_62 : vector<47x128xf32>
    %mul3A_64 = arith.constant 5.000000e-01 : f32
    %mul3A_65 = vector.broadcast %mul3A_64 : f32 to vector<47x128xf32>
    %mul3A_66 = arith.mulf %mul3A_65, %sub3A_58 : vector<47x128xf32>
    %add3A_67 = arith.addf %get3A_10, %mul3A_66 : vector<47x128xf32>
    %mul3A_68 = arith.mulf %mul3A_39, %sub3A_58 : vector<47x128xf32>
    %add3A_69 = arith.addf %add3A_67, %mul3A_68 : vector<47x128xf32>
    %exp3A = math.exp %mul3A_48 : vector<47x128xf32>
    %mul3A_70 = arith.mulf %sub3A, %exp3A : vector<47x128xf32>
    %exp3A_71 = math.exp %mul3A_57 : vector<47x128xf32>
    %mul3A_72 = arith.mulf %sub3A_58, %exp3A_71 : vector<47x128xf32>
    %mul3A_73 = arith.constant 5.000000e-01 : f32
    %mul3A_74 = vector.broadcast %mul3A_73 : f32 to vector<47x128xf32>
    %mul3A_75 = arith.mulf %mul3A_74, %mul3A_70 : vector<47x128xf32>
    %sub3A_76 = arith.subf %add3A_63, %mul3A_75 : vector<47x128xf32>
    %mul3A_77 = arith.constant 5.000000e-01 : f32
    %mul3A_78 = vector.broadcast %mul3A_77 : f32 to vector<47x128xf32>
    %mul3A_79 = arith.mulf %mul3A_78, %mul3A_72 : vector<47x128xf32>
    %sub3A_80 = arith.subf %add3A_69, %mul3A_79 : vector<47x128xf32>
    %jit3A = arith.constant 0.000000e+00 : f32
    %jit3A_81 = arith.constant 1.000000e+00 : f32
    %max3A = vector.broadcast %jit3A : f32 to vector<47x128xf32>
    %max3A_82 = arith.maximumf %max3A, %sub3A_76 : vector<47x128xf32>
    %min3A = vector.broadcast %jit3A_81 : f32 to vector<47x128xf32>
    %min3A_83 = arith.minimumf %min3A, %max3A_82 : vector<47x128xf32>
    %jit3A_84 = arith.constant 0.000000e+00 : f32
    %jit3A_85 = arith.constant 1.000000e+00 : f32
    %max3A_86 = vector.broadcast %jit3A_84 : f32 to vector<47x128xf32>
    %max3A_87 = arith.maximumf %max3A_86, %sub3A_80 : vector<47x128xf32>
    %min3A_88 = vector.broadcast %jit3A_85 : f32 to vector<47x128xf32>
    %min3A_89 = arith.minimumf %min3A_88, %max3A_87 : vector<47x128xf32>
    %add3A_90 = arith.addf %sub3A_76, %mul3A_70 : vector<47x128xf32>
    %jit3A_91 = arith.constant 0.000000e+00 : f32
    %jit3A_92 = arith.constant 1.000000e+00 : f32
    %max3A_93 = vector.broadcast %jit3A_91 : f32 to vector<47x128xf32>
    %max3A_94 = arith.maximumf %max3A_93, %add3A_90 : vector<47x128xf32>
    %min3A_95 = vector.broadcast %jit3A_92 : f32 to vector<47x128xf32>
    %min3A_96 = arith.minimumf %min3A_95, %max3A_94 : vector<47x128xf32>
    %add3A_97 = arith.addf %sub3A_80, %mul3A_72 : vector<47x128xf32>
    %jit3A_98 = arith.constant 0.000000e+00 : f32
    %jit3A_99 = arith.constant 1.000000e+00 : f32
    %max3A_100 = vector.broadcast %jit3A_98 : f32 to vector<47x128xf32>
    %max3A_101 = arith.maximumf %max3A_100, %add3A_97 : vector<47x128xf32>
    %min3A_102 = vector.broadcast %jit3A_99 : f32 to vector<47x128xf32>
    %min3A_103 = arith.minimumf %min3A_102, %max3A_101 : vector<47x128xf32>
    %sub3A_104 = arith.subf %min3A_96, %min3A_83 : vector<47x128xf32>
    %sub3A_105 = arith.subf %min3A_103, %min3A_89 : vector<47x128xf32>
    %mul3A_106 = arith.mulf %sub3A_104, %sub3A_105 : vector<47x128xf32>
    %iota3A = tpu.iota {dimensions = array<i32: 0>} : vector<47x128xi32>
    %mul3A_107 = arith.constant 128 : i32
    %mul3A_108 = vector.broadcast %mul3A_107 : i32 to vector<47x128xi32>
    %mul3A_109 = arith.muli %iota3A, %mul3A_108 : vector<47x128xi32>
    %iota3A_110 = tpu.iota {dimensions = array<i32: 1>} : vector<47x128xi32>
    %add3A_111 = arith.addi %mul3A_109, %iota3A_110 : vector<47x128xi32>
    %broadcast_in_dim3A = arith.constant 1.000000e+00 : f32
    %broadcast_in_dim3A_112 = vector.broadcast %broadcast_in_dim3A : f32 to vector<47x128xf32>
    %scan3A = arith.constant 0 : i32
    %scan3A_113 = arith.constant 6000 : i32
    %scan3A_114 = arith.addi %scan3A, %scan3A_113 : i32
    %scan3A_115 = arith.constant 1 : i32
    %scan3A_116 = scf.for %scan3A_151 = %scan3A to %scan3A_114 step %scan3A_115 iter_args(%scan3A_152 = %broadcast_in_dim3A_112) -> (vector<47x128xf32>)  : i32 {
      %eq3A = vector.broadcast %scan3A_151 : i32 to vector<47x128xi32>
      %eq3A_153 = arith.cmpi eq, %add3A_111, %eq3A : vector<47x128xi32>
      %broadcast_in_dim3A_154 = arith.constant 0.000000e+00 : f32
      %broadcast_in_dim3A_155 = vector.broadcast %broadcast_in_dim3A_154 : f32 to vector<47x128xf32>
      %select_n3A = arith.select %eq3A_153, %scan3A_152, %broadcast_in_dim3A_155 : vector<47x128xi1>, vector<47x128xf32>
      %reduce_sum3A = vector.shape_cast %select_n3A : vector<47x128xf32> to vector<1x47x128xf32>
      %reduce_sum3A_156 = arith.constant dense<0.000000e+00> : vector<1xf32>
      %reduce_sum3A_157 = vector.multi_reduction <add>, %reduce_sum3A, %reduce_sum3A_156 [1, 2] : vector<1x47x128xf32> to vector<1xf32>
      %reduce_sum3A_158 = vector.shape_cast %reduce_sum3A_157 : vector<1xf32> to vector<1x1x1xf32>
      %reduce_sum3A_159 = vector.extract %reduce_sum3A_158[0, 0, 0] : f32 from vector<1x1x1xf32>
      %select_n3A_160 = arith.select %eq3A_153, %min3A_83, %broadcast_in_dim3A_155 : vector<47x128xi1>, vector<47x128xf32>
      %reduce_sum3A_161 = vector.shape_cast %select_n3A_160 : vector<47x128xf32> to vector<1x47x128xf32>
      %reduce_sum3A_162 = arith.constant dense<0.000000e+00> : vector<1xf32>
      %reduce_sum3A_163 = vector.multi_reduction <add>, %reduce_sum3A_161, %reduce_sum3A_162 [1, 2] : vector<1x47x128xf32> to vector<1xf32>
      %reduce_sum3A_164 = vector.shape_cast %reduce_sum3A_163 : vector<1xf32> to vector<1x1x1xf32>
      %reduce_sum3A_165 = vector.extract %reduce_sum3A_164[0, 0, 0] : f32 from vector<1x1x1xf32>
      %select_n3A_166 = arith.select %eq3A_153, %min3A_89, %broadcast_in_dim3A_155 : vector<47x128xi1>, vector<47x128xf32>
      %reduce_sum3A_167 = vector.shape_cast %select_n3A_166 : vector<47x128xf32> to vector<1x47x128xf32>
      %reduce_sum3A_168 = arith.constant dense<0.000000e+00> : vector<1xf32>
      %reduce_sum3A_169 = vector.multi_reduction <add>, %reduce_sum3A_167, %reduce_sum3A_168 [1, 2] : vector<1x47x128xf32> to vector<1xf32>
      %reduce_sum3A_170 = vector.shape_cast %reduce_sum3A_169 : vector<1xf32> to vector<1x1x1xf32>
      %reduce_sum3A_171 = vector.extract %reduce_sum3A_170[0, 0, 0] : f32 from vector<1x1x1xf32>
      %select_n3A_172 = arith.select %eq3A_153, %min3A_96, %broadcast_in_dim3A_155 : vector<47x128xi1>, vector<47x128xf32>
      %reduce_sum3A_173 = vector.shape_cast %select_n3A_172 : vector<47x128xf32> to vector<1x47x128xf32>
      %reduce_sum3A_174 = arith.constant dense<0.000000e+00> : vector<1xf32>
      %reduce_sum3A_175 = vector.multi_reduction <add>, %reduce_sum3A_173, %reduce_sum3A_174 [1, 2] : vector<1x47x128xf32> to vector<1xf32>
      %reduce_sum3A_176 = vector.shape_cast %reduce_sum3A_175 : vector<1xf32> to vector<1x1x1xf32>
      %reduce_sum3A_177 = vector.extract %reduce_sum3A_176[0, 0, 0] : f32 from vector<1x1x1xf32>
      %select_n3A_178 = arith.select %eq3A_153, %min3A_103, %broadcast_in_dim3A_155 : vector<47x128xi1>, vector<47x128xf32>
      %reduce_sum3A_179 = vector.shape_cast %select_n3A_178 : vector<47x128xf32> to vector<1x47x128xf32>
      %reduce_sum3A_180 = arith.constant dense<0.000000e+00> : vector<1xf32>
      %reduce_sum3A_181 = vector.multi_reduction <add>, %reduce_sum3A_179, %reduce_sum3A_180 [1, 2] : vector<1x47x128xf32> to vector<1xf32>
      %reduce_sum3A_182 = vector.shape_cast %reduce_sum3A_181 : vector<1xf32> to vector<1x1x1xf32>
      %reduce_sum3A_183 = vector.extract %reduce_sum3A_182[0, 0, 0] : f32 from vector<1x1x1xf32>
      %sub3A_184 = arith.subf %reduce_sum3A_177, %reduce_sum3A_165 : f32
      %sub3A_185 = arith.subf %reduce_sum3A_183, %reduce_sum3A_171 : f32
      %mul3A_186 = arith.mulf %sub3A_184, %sub3A_185 : f32
      %min3A_187 = vector.broadcast %reduce_sum3A_177 : f32 to vector<47x128xf32>
      %min3A_188 = arith.minimumf %min3A_96, %min3A_187 : vector<47x128xf32>
      %max3A_189 = vector.broadcast %reduce_sum3A_165 : f32 to vector<47x128xf32>
      %max3A_190 = arith.maximumf %min3A_83, %max3A_189 : vector<47x128xf32>
      %sub3A_191 = arith.subf %min3A_188, %max3A_190 : vector<47x128xf32>
      %max3A_192 = arith.constant 0.000000e+00 : f32
      %max3A_193 = vector.broadcast %max3A_192 : f32 to vector<47x128xf32>
      %max3A_194 = arith.maximumf %sub3A_191, %max3A_193 : vector<47x128xf32>
      %min3A_195 = vector.broadcast %reduce_sum3A_183 : f32 to vector<47x128xf32>
      %min3A_196 = arith.minimumf %min3A_103, %min3A_195 : vector<47x128xf32>
      %max3A_197 = vector.broadcast %reduce_sum3A_171 : f32 to vector<47x128xf32>
      %max3A_198 = arith.maximumf %min3A_89, %max3A_197 : vector<47x128xf32>
      %sub3A_199 = arith.subf %min3A_196, %max3A_198 : vector<47x128xf32>
      %max3A_200 = arith.constant 0.000000e+00 : f32
      %max3A_201 = vector.broadcast %max3A_200 : f32 to vector<47x128xf32>
      %max3A_202 = arith.maximumf %sub3A_199, %max3A_201 : vector<47x128xf32>
      %mul3A_203 = arith.mulf %max3A_194, %max3A_202 : vector<47x128xf32>
      %add3A_204 = vector.broadcast %mul3A_186 : f32 to vector<47x128xf32>
      %add3A_205 = arith.addf %mul3A_106, %add3A_204 : vector<47x128xf32>
      %sub3A_206 = arith.subf %add3A_205, %mul3A_203 : vector<47x128xf32>
      %max3A_207 = arith.constant 9.99999993E-9 : f32
      %max3A_208 = vector.broadcast %max3A_207 : f32 to vector<47x128xf32>
      %max3A_209 = arith.maximumf %sub3A_206, %max3A_208 : vector<47x128xf32>
      %div3A = arith.divf %mul3A_203, %max3A_209 : vector<47x128xf32>
      %gt3A = arith.constant 0.699999988 : f32
      %gt3A_210 = vector.broadcast %gt3A : f32 to vector<47x128xf32>
      %gt3A_211 = arith.cmpf ogt, %div3A, %gt3A_210 : vector<47x128xf32>
      %gt3A_212 = vector.broadcast %scan3A_151 : i32 to vector<47x128xi32>
      %gt3A_213 = arith.cmpi sgt, %add3A_111, %gt3A_212 : vector<47x128xi32>
      %and3A = arith.andi %gt3A_211, %gt3A_213 : vector<47x128xi1>
      %gt3A_214 = arith.constant 0.000000e+00 : f32
      %gt3A_215 = arith.cmpf ogt, %reduce_sum3A_159, %gt3A_214 : f32
      %and3A_216 = vector.broadcast %gt3A_215 : i1 to vector<47x128xi1>
      %and3A_217 = arith.andi %and3A, %and3A_216 : vector<47x128xi1>
      %jit3A_218 = arith.constant 0.000000e+00 : f32
      %broadcast_in_dim3A_219 = vector.broadcast %jit3A_218 : f32 to vector<47x128xf32>
      %select_n3A_220 = arith.select %and3A_217, %broadcast_in_dim3A_219, %scan3A_152 : vector<47x128xi1>, vector<47x128xf32>
      scf.yield %select_n3A_220 : vector<47x128xf32>
    }
    %scan3A_117 = arith.constant 6000 : i32
    %swap3A = arith.constant 0 : index
    %swap3A_118 = arith.constant 0 : index
    %swap3A_119 = arith.constant 0 : index
    %swap3A_120 = arith.constant 0 : index
    %swap3A_121 = vector.load %arg3[%swap3A, %swap3A_118, %swap3A_119, %swap3A_120] : memref<1x4x47x128xf32, #tpu.memory_space<vmem>>, vector<1x1x47x128xf32>
    %swap3A_122 = vector.shape_cast %swap3A_121 : vector<1x1x47x128xf32> to vector<47x128xf32>
    %swap3A_123 = vector.shape_cast %min3A_83 : vector<47x128xf32> to vector<1x1x47x128xf32>
    tpu.vector_store %arg3[%swap3A, %swap3A_118, %swap3A_119, %swap3A_120], %swap3A_123 {strides = array<i32>} : memref<1x4x47x128xf32, #tpu.memory_space<vmem>>, vector<1x1x47x128xf32>,
    %swap3A_124 = arith.constant 0 : index
    %swap3A_125 = arith.constant 1 : index
    %swap3A_126 = arith.constant 0 : index
    %swap3A_127 = arith.constant 0 : index
    %swap3A_128 = vector.load %arg3[%swap3A_124, %swap3A_125, %swap3A_126, %swap3A_127] : memref<1x4x47x128xf32, #tpu.memory_space<vmem>>, vector<1x1x47x128xf32>
    %swap3A_129 = vector.shape_cast %swap3A_128 : vector<1x1x47x128xf32> to vector<47x128xf32>
    %swap3A_130 = vector.shape_cast %min3A_89 : vector<47x128xf32> to vector<1x1x47x128xf32>
    tpu.vector_store %arg3[%swap3A_124, %swap3A_125, %swap3A_126, %swap3A_127], %swap3A_130 {strides = array<i32>} : memref<1x4x47x128xf32, #tpu.memory_space<vmem>>, vector<1x1x47x128xf32>,
    %swap3A_131 = arith.constant 0 : index
    %swap3A_132 = arith.constant 2 : index
    %swap3A_133 = arith.constant 0 : index
    %swap3A_134 = arith.constant 0 : index
    %swap3A_135 = vector.load %arg3[%swap3A_131, %swap3A_132, %swap3A_133, %swap3A_134] : memref<1x4x47x128xf32, #tpu.memory_space<vmem>>, vector<1x1x47x128xf32>
    %swap3A_136 = vector.shape_cast %swap3A_135 : vector<1x1x47x128xf32> to vector<47x128xf32>
    %swap3A_137 = vector.shape_cast %min3A_96 : vector<47x128xf32> to vector<1x1x47x128xf32>
    tpu.vector_store %arg3[%swap3A_131, %swap3A_132, %swap3A_133, %swap3A_134], %swap3A_137 {strides = array<i32>} : memref<1x4x47x128xf32, #tpu.memory_space<vmem>>, vector<1x1x47x128xf32>,
    %swap3A_138 = arith.constant 0 : index
    %swap3A_139 = arith.constant 3 : index
    %swap3A_140 = arith.constant 0 : index
    %swap3A_141 = arith.constant 0 : index
    %swap3A_142 = vector.load %arg3[%swap3A_138, %swap3A_139, %swap3A_140, %swap3A_141] : memref<1x4x47x128xf32, #tpu.memory_space<vmem>>, vector<1x1x47x128xf32>
    %swap3A_143 = vector.shape_cast %swap3A_142 : vector<1x1x47x128xf32> to vector<47x128xf32>
    %swap3A_144 = vector.shape_cast %min3A_103 : vector<47x128xf32> to vector<1x1x47x128xf32>
    tpu.vector_store %arg3[%swap3A_138, %swap3A_139, %swap3A_140, %swap3A_141], %swap3A_144 {strides = array<i32>} : memref<1x4x47x128xf32, #tpu.memory_space<vmem>>, vector<1x1x47x128xf32>,
    %swap3A_145 = arith.constant 0 : index
    %swap3A_146 = arith.constant 0 : index
    %swap3A_147 = arith.constant 0 : index
    %swap3A_148 = vector.load %arg4[%swap3A_145, %swap3A_146, %swap3A_147] : memref<1x47x128xf32, #tpu.memory_space<vmem>>, vector<1x47x128xf32>
    %swap3A_149 = vector.shape_cast %swap3A_148 : vector<1x47x128xf32> to vector<47x128xf32>
    %swap3A_150 = vector.shape_cast %scan3A_116 : vector<47x128xf32> to vector<1x47x128xf32>
    tpu.vector_store %arg4[%swap3A_145, %swap3A_146, %swap3A_147], %swap3A_150 {strides = array<i32>} : memref<1x47x128xf32, #tpu.memory_space<vmem>>, vector<1x47x128xf32>,
    return
  }
  func.func @transform_0(%arg0: i32) -> (i32, i32, i32, i32) {
    %c0_i32 = arith.constant 0 : i32
    %c0_i32_0 = arith.constant 0 : i32
    %c0_i32_1 = arith.constant 0 : i32
    %c0_i32_2 = arith.constant 0 : i32
    return %arg0, %c0_i32, %c0_i32_0, %c0_i32_1 : i32, i32, i32, i32
  }
  func.func @transform_1(%arg0: i32) -> (i32, i32, i32, i32) {
    %c0_i32 = arith.constant 0 : i32
    %c0_i32_0 = arith.constant 0 : i32
    %c0_i32_1 = arith.constant 0 : i32
    %c0_i32_2 = arith.constant 0 : i32
    return %arg0, %c0_i32, %c0_i32_0, %c0_i32_1 : i32, i32, i32, i32
  }
  func.func @transform_2(%arg0: i32) -> (i32, i32, i32, i32) {
    %c0_i32 = arith.constant 0 : i32
    %c0_i32_0 = arith.constant 0 : i32
    %c0_i32_1 = arith.constant 0 : i32
    %c0_i32_2 = arith.constant 0 : i32
    return %arg0, %c0_i32, %c0_i32_0, %c0_i32_1 : i32, i32, i32, i32
  }
  func.func @transform_3(%arg0: i32) -> (i32, i32, i32) {
    %c0_i32 = arith.constant 0 : i32
    %c0_i32_0 = arith.constant 0 : i32
    %c0_i32_1 = arith.constant 0 : i32
    return %arg0, %c0_i32, %c0_i32_0 : i32, i32, i32
  }
}

</mosaic_0001>

<sc_bundles>
// kernel: gather_offload_async_start.1
scs
__scs_entry_jumppad:
0x0: {  	(pc) =	sbr.rel $0x88, $3  }
0x1: {  	(tag) =	ssettag $0x0;
	lr =	simm.s32 $0x1  }
0x2: {  	[smem:$0x3F9E] =	sst lr;
	_ =	strace $0xD0000000  }
0x3: {  	_ = 	snop  }
0x4: {  	_ = 	snop  }
0x5: {  	_ = 	snop  }
0x6: {  	_ = 	snop  }
0x7: {  	_ = 	snop  }
__scs_overlays_trampoline_lowered:
0x8: {  	[smem:$0x3FAD] =	sst s0  }
0x9: {  	[smem:$0x3FAE] =	sst s1  }
0xa: {  	[smem:$0x3FAF] =	sst s2  }
0xb: {  	[smem:$0x3FB0] =	sst s3  }
0xc: {  	[smem:$0x3FB1] =	sst s4  }
0xd: {  	[smem:$0x3FB2] =	sst s5  }
0xe: {  	[smem:$0x3FB3] =	sst s6  }
0xf: {  	[smem:$0x3FB4] =	sst s7  }
0x10: {  	[smem:$0x3FB5] =	sst s8  }
0x11: {  	[smem:$0x3FB6] =	sst s9;
	s0 =	simm.s32 @!p0 $0x0  }
0x12: {  	s1 =	sld [smem:$0x3F9C];
	s0 =	simm.s32 @p0 $0x1  }
0x13: {  	[smem:$0x3FB7] =	sst s0;
	s0 =	simm.s32 @!p1 $0x0  }
0x14: {  	s2 =	sld [smem:$0x3F9B];
	s0 =	simm.s32 @p1 $0x1  }
0x15: {  	[smem:$0x3FB8] =	sst s0;
	s0 =	simm.s32 @!p2 $0x0  }
0x16: {  	s3 =	sld [smem:$0x3FDB];
	s0 =	simm.s32 @p2 $0x1  }
0x17: {  	s4 =	simm.s32 $0x1BF5;
	[smem:$0x3FBA] =	sst s0  }
0x18: {  	s0 =	sld [smem:$0x3F9D];
	_ =	swait.ge [sflag:s4], $0x0  }
0x19: {  	s7 =	sld [smem:$0x3F9E]  }
0x1a: {  	s8 =	sadd.s32 $0xFFFFE003, lr  }
0x1b: {  	s9 =	sadd.s32 $0xFFFFFEF7, lr;
	s5 =	simm.s32 $0xFFFFFFFF;
	p2 =	slt.u32 s8, $0xFFFFF086  }
0x1c: {  	p1 =	slt.u32 s9, $0xF7A;
	s5 =	simm.s32 @!p2 $0x0  }
0x1d: {  	s5 =	simm.s32 @p1 $0x1;
	p0 =	seq.s32 s7, s2  }
0x1e: {  	s7 =	smul.u32 @!p0 $0xF7A, s2;
	p2 =	seq.s32 @!p0 s5, $0x0  }
0x1f: {  	s9 =	smul.u32 $0xF7A, s1;
	s8 =	simm.s32 @!p0 $0x1BF5;
	p2 =	por !p2, p0  }
0x20: {  	[sflag:s8] =	ssyncset.s32 @!p0 $0xFFFFF086;
	s6 =	sadd.s32 @!p0 s3, s7;
	s7 =	simm.s32 @!p0 $0x108  }
0x21: {  	s3 =	sadd.s32 s3, s9;
	s6 =	sadd.s32 @!p0 $0x88, s6;
	s7 =	simm.s32 @p2 $0x1082  }
0x22: {  	[simem:s7], [sflag:s8] =	dma.local @!p0 [hbm:s6], $0xF7A  }
0x23: {  	s9 =	sor.u32 $0xD0000000, s2;
	s6 =	simm.s32 $0x108;
	_ =	swait.ge @!p0 [sflag:s8], $0x0  }
0x24: {  	s3 =	sadd.s32 $0x88, s3;
	s6 =	simm.s32 @!p1 $0x1082;
	[sflag:s4] =	ssyncset.s32 $0xFFFFF086  }
0x25: {  	[simem:s6], [sflag:s4] =	dma.local [hbm:s3], $0xF7A  }
0x26: {  	[smem:$0x3F9E] =	sst s1;
	(tag) =	ssettag s2;
	_ =	strace s9  }
0x27: {  	s1 =	sld [smem:$0x3FAE]  }
0x28: {  	s2 =	sld [smem:$0x3FAF]  }
0x29: {  	s4 =	sld [smem:$0x3FB1]  }
0x2a: {  	p0 =	seq.s32 s5, $0x0;
	s5 =	sld [smem:$0x3FB2]  }
0x2b: {  	s6 =	sld [smem:$0x3FB3]  }
0x2c: {  	s7 =	sld [smem:$0x3FB4]  }
0x2d: {  	s3 =	simm.s32 $0x108;
	s8 =	sld [smem:$0x3FB5]  }
0x2e: {  	s3 =	simm.s32 @!p0 $0x1082;
	s9 =	sld [smem:$0x3FB6]  }
0x2f: {  	lr =	sadd.s32 s0, s3;
	s0 =	sld [smem:$0x3FAD]  }
0x30: {  	s3 =	sld [smem:$0x3FB0]  }
0x31: {  	[smem:$0x3FB9] =	sst s10  }
0x32: {  	s10 =	sld [smem:$0x3FB7];
	_ =	sdelay $0x3  }
0x33: {  	p0 =	seq.s32 s10, $0x1;
	s10 =	sld [smem:$0x3FB9];
	_ =	sdelay $0x3  }
0x34: {  	[smem:$0x3FB9] =	sst s10  }
0x35: {  	s10 =	sld [smem:$0x3FB8];
	_ =	sdelay $0x3  }
0x36: {  	p1 =	seq.s32 s10, $0x1;
	s10 =	sld [smem:$0x3FB9];
	_ =	sdelay $0x3  }
0x37: {  	[smem:$0x3FB9] =	sst s10  }
0x38: {  	s10 =	sld [smem:$0x3FBA]  }
0x39: {  	_ = 	snop;
	(pc) =	sbr.ind lr, $3  }
0x3a: {  	_ = 	snop  }
0x3b: {  	_ = 	snop  }
0x3c: {  	p2 =	seq.s32 s10, $0x1;
	s10 =	sld [smem:$0x3FB9]  }
0x3d: {  	_ =	shalt  }
0x3e: {  	_ =	shalt  }
0x3f: {  	_ =	shalt  }
0x40: {  	_ =	shalt  }
0x41: {  	_ =	shalt  }
0x42: {  	_ =	shalt  }
0x43: {  	_ =	shalt  }
0x44: {  	_ =	shalt  }
0x45: {  	_ =	shalt  }
0x46: {  	_ =	shalt  }
0x47: {  	_ =	shalt  }
0x48: {  	_ =	shalt  }
0x49: {  	_ =	shalt  }
0x4a: {  	_ =	shalt  }
0x4b: {  	_ =	shalt  }
0x4c: {  	_ =	shalt  }
0x4d: {  	_ =	shalt  }
0x4e: {  	_ =	shalt  }
0x4f: {  	_ =	shalt  }
0x50: {  	_ =	shalt  }
0x51: {  	_ =	shalt  }
0x52: {  	_ =	shalt  }
0x53: {  	_ =	shalt  }
0x54: {  	_ =	shalt  }
0x55: {  	_ =	shalt  }
0x56: {  	_ =	shalt  }
0x57: {  	_ =	shalt  }
0x58: {  	_ =	shalt  }
0x59: {  	_ =	shalt  }
0x5a: {  	_ =	shalt  }
0x5b: {  	_ =	shalt  }
0x5c: {  	_ =	shalt  }
0x5d: {  	_ =	shalt  }
0x5e: {  	_ =	shalt  }
0x5f: {  	_ =	shalt  }
0x60: {  	_ =	shalt  }
0x61: {  	_ =	shalt  }
0x62: {  	_ =	shalt  }
0x63: {  	_ =	shalt  }
0x64: {  	_ =	shalt  }
0x65: {  	_ =	shalt  }
0x66: {  	_ =	shalt  }
0x67: {  	_ =	shalt  }
0x68: {  	_ =	shalt  }
0x69: {  	_ =	shalt  }
0x6a: {  	_ =	shalt  }
0x6b: {  	_ =	shalt  }
0x6c: {  	_ =	shalt  }
0x6d: {  	_ =	shalt  }
0x6e: {  	_ =	shalt  }
0x6f: {  	_ =	shalt  }
0x70: {  	_ =	shalt  }
0x71: {  	_ =	shalt  }
0x72: {  	_ =	shalt  }
0x73: {  	_ =	shalt  }
0x74: {  	_ =	shalt  }
0x75: {  	_ =	shalt  }
0x76: {  	_ =	shalt  }
0x77: {  	_ =	shalt  }
0x78: {  	_ =	shalt  }
0x79: {  	_ =	shalt  }
0x7a: {  	_ =	shalt  }
0x7b: {  	_ =	shalt  }
0x7c: {  	_ =	shalt  }
0x7d: {  	_ =	shalt  }
0x7e: {  	_ =	shalt  }
0x7f: {  	_ =	shalt  }
0x80: {  	_ =	shalt  }
0x81: {  	_ =	shalt  }
0x82: {  	_ =	shalt  }
0x83: {  	_ =	shalt  }
0x84: {  	_ =	shalt  }
0x85: {  	_ =	shalt  }
0x86: {  	_ =	shalt  }
0x87: {  	_ =	shalt  }
.Lfunc_end0:
.L_simem_size_0:
called_computation.1_lowered:
.L_overlay_start_0:
0x88: {  	s2 =	sld [smem:$0x3FD9]  }
0x89: {  	s3 =	sld [smem:$0x3FFE];
	_ =	sdelay $0x1  }
0x8a: {  	s1 =	srdreg.scid  }
0x8b: {  	s0 =	sand.u32 $0x1, s1  }
0x8c: {  	s17 =	sshll.u32 s0, $0xA;
	s2 =	sadd.s32 s3, s2  }
0x8d: {  	s2 =	sadd.s32 s2, s17  }
0x8e: {  	[smem:$0x3FC5] =	sst s2  }
0x8f: {  	_ = 	snop  }
0x90: {  	s18 =	sld [smem:$0x3FC7]  }
0x91: {  	s4 =	sld [smem:$0x3FD0];
	(tm) =	ssettm $0x1  }
0x92: {  	s19 =	sld [smem:$0x3FFB];
	_ =	sdelay $0x3  }
0x93: {  	_ =	strace s19  }
0x94: {  	s2 =	sld [smem:$0x3FFC];
	_ =	sdelay $0x3  }
0x95: {  	_ =	strace s2  }
0x96: {  	s2 =	sld [smem:$0x3FFD];
	_ =	sdelay $0x3  }
0x97: {  	_ =	strace s2  }
0x98: {  	_ =	strace $0x8FFFFFFF  }
0x99: {  	s20 =	sld [smem:$0x3FDB];
	_ =	sdelay $0x1  }
0x9a: {  	s5 =	simm.s32 $_scs_section_size  }
0x9b: {  	s6 =	simm.s32 $_size__tile_overlayer_lowered;
	s7 =	simm.s32 $_tile_overlayer_lowered  }
0x9c: {  	s8 =	simm.s32 $0x1BFF;
	s21 =	sshll.u32 s7, $0x1;
	s5 =	sadd.s32 s5, s20  }
0x9d: {  	s22 =	simm.s32 $0x0;
	s6 =	sshll.u32 s6, $0x1;
	s7 =	sadd.s32 s21, s5  }
0x9e: {  	[timem:s22], [sflag:s8] =	dma.local [hbm:s7], s6  }
0x9f: {  	_ =	swait.ge [sflag:s8], s6  }
0xa0: {  	s6 =	ssub.s32 $0x0, s6;
	[sflag:s8] =	ssyncset.done $0x0  }
0xa1: {  	[sflag:s8] =	ssyncadd.s32 s6;
	_ =	sdelay $0x1  }
0xa2: {  	s23 =	simm.s32 $0x1B8B  }
0xa3: {  	_ =	swait.ge [sflag:s23], $0x1  }
0xa4: {  	[sflag:s23] =	ssyncset.done $0x0  }
0xa5: {  	[sflag:s23] =	ssyncadd.s32 $0xFFFFFFFF  }
0xa6: {  	s6 =	sld [smem:$0x0]  }
0xa7: {  	s7 =	sand.u32 $0xFFFFFFFE, s1  }
0xa8: {  	p0 =	sne.s32 s1, s7  }
0xa9: {  	s7 =	sshll.u32 @p0 s7, $0xE  }
0xaa: {  	s7 =	sadd.s32 @p0 $0x11B8D, s7;
	s8 =	sshll.u32 @p0 s6, $0x11  }
0xab: {  	s7 =	sor.u32 @p0 s8, s7  }
0xac: {  	[sflag:s7] =	ssyncadd.remote.s32 @p0 $0x1;
	_ =	sdelay $0x1  }
0xad: {  	s7 =	simm.s32 @p0 $0x1B8D  }
0xae: {  	_ =	swait.eq @p0 [sflag:s7], $0x1  }
0xaf: {  	[sflag:s7] =	ssyncadd.s32 @p0 $0xFFFFFFFF  }
0xb0: {  	s8 =	sshll.u32 @!p0 s1, $0xE  }
0xb1: {  	s8 =	sor.u32 @!p0 $0x4000, s8;
	s7 =	simm.s32 @!p0 $0x1B8D  }
0xb2: {  	s6 =	sshll.u32 @!p0 s6, $0x11;
	s8 =	sadd.s32 @!p0 $0x11B8D, s8;
	_ =	swait.eq @!p0 [sflag:s7], $0x1  }
0xb3: {  	s6 =	sor.u32 @!p0 s6, s8;
	[sflag:s7] =	ssyncadd.s32 @!p0 $0xFFFFFFFF  }
0xb4: {  	s25 =	simm.s32 $0x1B8E;
	s24 =	sld [smem:$0x3FFE];
	[sflag:s6] =	ssyncadd.remote.s32 @!p0 $0x1  }
0xb5: {  	s26 =	simm.s32 $execute0_lowered;
	[smem:$0x3FD2] =	sst s25  }
0xb6: {  	s7 =	sshll.u32 s26, $0x1;
	_ =	strace $0x80000049;
	[dreg:$0x1] =	wrdreg $0xFFFFFFFF  }
0xb7: {  	s28 =	simm.s32 $_size_execute0_lowered;
	s5 =	sadd.s32 s5, s7;
	[dreg:$0x0] =	wrdreg $0x0  }
0xb8: {  	s7 =	sshll.u32 s28, $0x1;
	[dreg:$0x2] =	wrdreg s5  }
0xb9: {  	[dreg:$0x3] =	wrdreg s7  }
0xba: {  	[dreg:$0x4] =	wrdreg $0xC0  }
0xbb: {  	_ =	task [dreg:s22], $0x5FFFF  }
0xbc: {  	[dreg:$0x1] =	wrdreg $0xFFFFFFFF  }
0xbd: {  	[dreg:$0x0] =	wrdreg $0x60  }
0xbe: {  	[dreg:$0x2] =	wrdreg s18  }
0xbf: {  	[dreg:$0x3] =	wrdreg s4  }
0xc0: {  	[dreg:$0x4] =	wrdreg s24  }
0xc1: {  	[dreg:$0x5] =	wrdreg $0x9  }
0xc2: {  	_ =	task.clear_ibuf [dreg:s22], $0x6FFFF;
	_ =	strace $0x90000049  }
0xc3: {  	s29 =	simm.s32 $0x9;
	_ =	strace $0x8000004B  }
0xc4: {  	_ =	swait.ge [sflag:s29], $0x1  }
0xc5: {  	[sflag:s29] =	ssyncadd.s32 $0xFFFFFFFF  }
0xc6: {  	_ =	strace $0x9000004B  }
0xc7: {  	_ =	sfence  }
0xc8: {  	s30 =	sld [smem:$0x0];
	_ =	sdelay $0x2  }
0xc9: {  	s31 =	sshll.u32 s1, $0xD;
	s1 =	sshrl.u32 s1, $0x2  }
0xca: {  	s4 =	sand.u32 $0x4000, s31;
	s1 =	sadd.s32 s1, s30  }
0xcb: {  	s0 =	sor.u32 s4, s0;
	s1 =	sshll.u32 s1, $0x11  }
0xcc: {  	s0 =	sor.u32 s1, s0  }
0xcd: {  	s0 =	sadd.s32 $0x8F2B, s0  }
0xce: {  	[sflag:s0] =	ssyncadd.remote.s32 $0x1  }
0xcf: {  	_ =	sfence.sel $0xFFFF  }
0xd0: {  	[dreg:$0x0] =	wrdreg $0xFFFFFFFF;
	(pc) =	sbr.abs _section_cstart, $3  }
0xd1: {  	[dreg:$0x1] =	wrdreg $0xFFFFFFFF  }
0xd2: {  	_ =	task.clear_ibuf [dreg:s22], $0x2FFFF;
	_ =	strace $0x9FFFFFFF  }
0xd3: {  	(tm) =	ssettm $0x7FFFFFFF  }
tec
execute0_lowered:
.L_overlay_start_1:
0x0: {  	(tag) =	ssettag $0x1  }
0x1: {  	s1 =	srdreg.scid;
	s2 =	rddreg [dreg:$0x0]  }
0x2: {  	s0 =	stileid.u32;
	s3 =	rddreg [dreg:$0x1]  }
0x3: {  	s4 =	rddreg [dreg:$0x2];
	s6 =	simm.s32 $0x1;
	s1 =	sshll.u32 s1, $0x7  }
0x4: {  	s9 =	simm.s32 $0x1;
	s5 =	sshll.u32 s0, $0x8;
	s1 =	sand.u32 $0x80, s1  }
0x5: {  	s10 =	simm.s32 $0x3;
	s13 =	simm.s32 $0x0;
	s5 =	sor.u32 s5, s1  }
0x6: {  	s12 =	simm.s32 $0x0;
	s1 =	rddreg [dreg:$0x3];
	s8 =	ssub.s32 $0x2F00, s5  }
.Ltmp0:
0x7: {  	_ =	strace $0x8000004A;
	s7 =	sand.u32 $0xF80, s8;
	(pc) =	sbr.rel .LBB2_1-.Ltmp0, $4  }
0x8: {  	[sflag:s6] =	ssyncpa.u1 $0x0;
	s11 =	smov.u32 s5;
	p0 =	sne.s32 s7, $0x0  }
0x9: {  	s8 =	sshrl.u32 s8, $0xC;
	s7 =	simm.s32 $0x2;
	s9 =	simm.s32 @!p0 $0x0  }
0xa: {  	[sflag:s7] =	ssyncpa.u1 $0x0;
	p0 =	por $0x0, $0x0;
	s8 =	sadd.s32 s9, s8  }
0xb: {  	vm0 =	vmmov $0xffff;
	v0 =	vimm.s32 $0x0;
	v1 =	vlaneseq.u32;
	[sflag:s10] =	ssyncpa.u1 $0x0;
	s10 =	simm.s32 $0x0;
	s9 =	sadd.s32 $0x1, s8  }
.LBB2_4:
0xc: {  	_ =	sdelay $0x3  }
0xd: {  	[tilespmem:s21], [sflag:$0x1] =	stream.indirect_vreg.gather [hbm4b:s2+s10], $0x1, v2, vm0, $0x4038;
	[tilespmem:$0x500] =	vst v63  }
0xe: {  	s15 =	sadd.s32 s17, s15  }
0xf: {  	v2 =	vld.msk [tilespmem:s15+$0x0 ss:$0x1], $0xffff;
	_ =	sdelay $0x4  }
0x10: {  	v3 =	vshrl.u32 v2, $0x1  }
0x11: {  	v4 =	vand.u32 $0x1, v2;
	vm1 =	veq.s32 v2, $0x80000000;
	v2 =	vand.u32 $0x3FFFF, v3  }
0x12: {  	p1 =	sgt.s32 s18, $0x0;
	vm2 =	veq.s32 v4, $0x1;
	v2 =	vsel vm1, $0xFFFFFFFF, v2  }
0x13: {  	s18 =	simm.s32 @!p1 $0x0;
	v3 =	vsel vm2, $0xFFC00, v0;
	v61 =	vshll.u32 v2, $0x2  }
0x14: {  	s26 =	smin.u32 s18, $0x10;
	v3 =	vsel vm1, $0xFFF00400, v3;
	v4 =	vand.u32 $0xFFFFFE00, v61  }
0x15: {  	v62 =	vmov s26;
	v2 =	vand.u32 $0x7F, v2;
	v3 =	vadd.s32 v3, v4  }
0x16: {  	vm1 =	vgt.u32 v62, v1;
	v2 =	vor.u32 v2, v3  }
0x17: {  	v3 =	vnsel vm1, $0x7FFFFFFF, v2;
	_ =	sdelay $0x1  }
0x18: {  	v63 =	vor.u32 $0x80, v2  }
0x19: {  	(ifvalue) =	ssetifvalue $0x7FFFFFFF;
	v4 =	vnsel vm1, $0x7FFFFFFF, v63  }
0x1a: {  	s28 =	sadd.s32 s17, s16;
	(ifvalue) =	ssetifvalue $0x7FFFFFFF  }
0x1b: {  	v5 =	vor.u32 $0x100, v2;
	[tilespmem:s28], [sflag:$0x1] =	stream.indirect_vreg.gather [hbm4b:s2+s10], $0x1, v3, vm0, $0x4038;
	[tilespmem:$0x500] =	vst v63  }
0x1c: {  	(ifvalue) =	ssetifvalue $0x7FFFFFFF;
	v3 =	vnsel vm1, $0x7FFFFFFF, v5  }
0x1d: {  	s16 =	sadd.s32 $0x80, s28;
	(ifvalue) =	ssetifvalue $0x7FFFFFFF  }
0x1e: {  	v2 =	vor.u32 $0x180, v2;
	[tilespmem:s16], [sflag:$0x1] =	stream.indirect_vreg.gather [hbm4b:s2+s10], $0x1, v4, vm0, $0x4038;
	[tilespmem:$0x500] =	vst v63  }
0x1f: {  	v2 =	vnsel vm1, $0x7FFFFFFF, v2;
	(ifvalue) =	ssetifvalue $0x7FFFFFFF  }
0x20: {  	s29 =	sadd.s32 $0x100, s28;
	(ifvalue) =	ssetifvalue $0x7FFFFFFF  }
0x21: {  	[tilespmem:s29], [sflag:$0x1] =	stream.indirect_vreg.gather [hbm4b:s2+s10], $0x1, v3, vm0, $0x4038;
	[tilespmem:$0x500] =	vst v63  }
0x22: {  	(ifvalue) =	ssetifvalue $0x7FFFFFFF  }
0x23: {  	s30 =	sshll.u32 s13, $0x2;
	s15 =	sadd.s32 $0x180, s28;
	(ifvalue) =	ssetifvalue $0x7FFFFFFF  }
0x24: {  	[tilespmem:s15], [sflag:$0x1] =	stream.indirect_vreg.gather [hbm4b:s2+s10], $0x1, v2, vm0, $0x4038;
	[tilespmem:$0x500] =	vst v63  }
0x25: {  	s31 =	sand.u32 $0x78, s13;
	s15 =	sand.u32 $0xFFFFFE00, s30  }
0x26: {  	_ =	swait.ge [sflag:s6], $0x200;
	s13 =	sor.u32 s31, s15  }
0x27: {  	[sflag:s6] =	ssyncset.done $0x0;
	s13 =	sshrl.u32 s13, $0x3  }
0x28: {  	[sflag:s6] =	ssyncadd.s32 $0xFFFFFE00;
	s13 =	sadd.s32 s4, s13  }
0x29: {  	[hbm:s13] =	stream.linear.scatter [tilespmem:s14], [sflag:$0x3], $0x200, $0x38;
	[tilespmem:$0x500] =	vst v63  }
.LBB2_5:
0x2a: {  	s15 =	sadd.s32 $0x1000, s11  }
0x2b: {  	p2 =	sgt.s32 s15, $0x2EFF  }
0x2c: {  	s15 =	smov.u32 @p2 s5;
	p2 =	sne.s32 s12, s9  }
.Ltmp1:
0x2d: {  	p1 =	slt.u32 s12, $0x2;
	(pc) =	sbr.rel @!p2 .LBB2_6-.Ltmp1, $4  }
0x2e: {  	s14 =	simm.s32 @!p1 $0x3  }
0x2f: {  	s16 =	sadd.s32 $0x1, s12;
	_ =	swait.ge @!p1 [sflag:s14], $0x200  }
0x30: {  	s13 =	smov.u32 s11;
	p0 =	por !p0, !p0;
	[sflag:s14] =	ssyncset.done @!p1 $0x0  }
0x31: {  	s12 =	smov.u32 s16;
	s11 =	smov.u32 s15;
	[sflag:s14] =	ssyncadd.s32 @!p1 $0xFFFFFE00  }
.LBB2_1:
0x32: {  	p1 =	sge.u32 s12, s8  }
0x33: {  	s14 =	sxor.u32 @!p1 $0xFFFFFFFF, s12  }
0x34: {  	s31 =	sadd.s32 $0xFFFFFFFF, s12;
	s15 =	sshrl.u32 @!p1 s11, $0x3;
	s14 =	sshll.u32 @!p1 s14, $0x7  }
0x35: {  	s16 =	sand.u32 @!p1 $0x7, s11;
	s15 =	sadd.s32 @!p1 s3, s15;
	s14 =	sand.u32 @!p1 $0x80, s14  }
0x36: {  	[tilespmem:s14], [sflag:$0x2] =	stream.linear.gather @!p1 [hbm4b:s15+s16], $0x80, $0x38;
	[tilespmem:$0x500] =	vst v63  }
0x37: {  	p1 =	sge.u32 s31, s8  }
.Ltmp2:
0x38: {  	_ = 	snop;
	(pc) =	sbr.rel @p1 .LBB2_5-.Ltmp2, $1  }
0x39: {  	_ =	sdelay $0x3  }
0x3a: {  	s14 =	simm.s32 $0x1  }
0x3b: {  	_ =	swait.ge [sflag:s7], $0x80;
	s14 =	simm.s32 @!p0 $0x0  }
0x3c: {  	[sflag:s7] =	ssyncset.done $0x0;
	s15 =	sshll.u32 s14, $0x7  }
0x3d: {  	[sflag:s7] =	ssyncadd.s32 $0xFFFFFF80;
	s16 =	sadd.s32 $0x0, s15  }
0x3e: {  	v2 =	vld.msk [tilespmem:s16+$0x0 ss:$0x1], $0xffff;
	_ =	sdelay $0x3  }
0x3f: {  	s18 =	ssub.s32 $0x2EE0, s13  }
0x40: {  	p1 =	slt.s32 s18, $0x80;
	v3 =	vshrl.u32 v2, $0x1  }
0x41: {  	s18 =	simm.s32 @!p1 $0x80;
	v4 =	vand.u32 $0x1, v2;
	vm1 =	veq.s32 v2, $0x80000000;
	v2 =	vand.u32 $0x3FFFF, v3  }
0x42: {  	p1 =	sgt.s32 s18, $0x0;
	s16 =	smov.u32 s18;
	vm2 =	veq.s32 v4, $0x1;
	v2 =	vsel vm1, $0xFFFFFFFF, v2  }
0x43: {  	s16 =	simm.s32 @!p1 $0x0;
	v3 =	vsel vm2, $0xFFC00, v0;
	v61 =	vshll.u32 v2, $0x2  }
0x44: {  	s16 =	smin.u32 s16, $0x10;
	v3 =	vsel vm1, $0xFFF00400, v3;
	v4 =	vand.u32 $0xFFFFFE00, v61  }
0x45: {  	v62 =	vmov s16;
	v2 =	vand.u32 $0x7F, v2;
	v3 =	vadd.s32 v3, v4  }
0x46: {  	vm1 =	vgt.u32 v62, v1;
	v2 =	vor.u32 v2, v3  }
0x47: {  	v3 =	vnsel vm1, $0x7FFFFFFF, v2;
	_ =	sdelay $0x1  }
0x48: {  	s14 =	sshll.u32 s14, $0x9;
	v63 =	vor.u32 $0x80, v2  }
0x49: {  	(ifvalue) =	ssetifvalue $0x7FFFFFFF;
	s16 =	sor.u32 $0x100, s14;
	v4 =	vnsel vm1, $0x7FFFFFFF, v63  }
0x4a: {  	(ifvalue) =	ssetifvalue $0x7FFFFFFF;
	s19 =	sadd.s32 $0x0, s16  }
0x4b: {  	v5 =	vor.u32 $0x100, v2;
	[tilespmem:s19], [sflag:$0x1] =	stream.indirect_vreg.gather [hbm4b:s2+s10], $0x1, v3, vm0, $0x4038;
	[tilespmem:$0x500] =	vst v63  }
0x4c: {  	(ifvalue) =	ssetifvalue $0x7FFFFFFF;
	v3 =	vnsel vm1, $0x7FFFFFFF, v5  }
0x4d: {  	s17 =	sadd.s32 $0x80, s19;
	(ifvalue) =	ssetifvalue $0x7FFFFFFF  }
0x4e: {  	v2 =	vor.u32 $0x180, v2;
	[tilespmem:s17], [sflag:$0x1] =	stream.indirect_vreg.gather [hbm4b:s2+s10], $0x1, v4, vm0, $0x4038;
	[tilespmem:$0x500] =	vst v63  }
0x4f: {  	s30 =	sshll.u32 s12, $0x9;
	s20 =	simm.s32 $0x80;
	v2 =	vnsel vm1, $0x7FFFFFFF, v2;
	(ifvalue) =	ssetifvalue $0x7FFFFFFF  }
0x50: {  	s14 =	sand.u32 $0x200, s30;
	s31 =	sadd.s32 $0x100, s19;
	(ifvalue) =	ssetifvalue $0x7FFFFFFF  }
0x51: {  	[tilespmem:s31], [sflag:$0x1] =	stream.indirect_vreg.gather [hbm4b:s2+s10], $0x1, v3, vm0, $0x4038;
	[tilespmem:$0x500] =	vst v63  }
0x52: {  	s18 =	sadd.s32 $0xFFFFFFF0, s18;
	s14 =	sor.u32 $0x100, s14;
	(ifvalue) =	ssetifvalue $0x7FFFFFFF  }
0x53: {  	s21 =	sadd.s32 $0x180, s19;
	s17 =	simm.s32 $0x10;
	(ifvalue) =	ssetifvalue $0x7FFFFFFF  }
.LBB2_3:
0x54: {  	[tilespmem:s21], [sflag:$0x1] =	stream.indirect_vreg.gather [hbm4b:s2+s10], $0x1, v2, vm0, $0x4038;
	[tilespmem:$0x500] =	vst v63  }
0x55: {  	s19 =	smov.u32 s20  }
0x56: {  	s22 =	sadd.s32 s17, s15;
	s21 =	sshra.s32 s19, $0x2;
	s19 =	sadd.s32 $0x40, s20  }
0x57: {  	p1 =	sne.s32 s20, $0x1C0;
	v2 =	vld.msk [tilespmem:s22+$0x0 ss:$0x1], $0xffff  }
0x58: {  	(ifvalue) =	ssetifvalue $0x7FFFFFFF;
	_ =	sdelay $0x4  }
0x59: {  	v3 =	vshrl.u32 v2, $0x1;
	v4 =	vand.u32 $0x1, v2  }
0x5a: {  	vm1 =	veq.s32 v2, $0x80000000;
	v2 =	vand.u32 $0x3FFFF, v3;
	vm2 =	veq.s32 v4, $0x1  }
0x5b: {  	p2 =	sgt.s32 s18, $0x0;
	s20 =	smov.u32 s18;
	v2 =	vsel vm1, $0xFFFFFFFF, v2;
	v3 =	vsel vm2, $0xFFC00, v0  }
0x5c: {  	s20 =	simm.s32 @!p2 $0x0;
	v3 =	vsel vm1, $0xFFF00400, v3;
	v4 =	vshll.u32 v2, $0x2  }
0x5d: {  	s20 =	smin.u32 s20, $0x10;
	v4 =	vand.u32 $0xFFFFFE00, v4  }
0x5e: {  	v2 =	vand.u32 $0x7F, v2;
	v3 =	vadd.s32 v3, v4;
	v4 =	vmov s20  }
0x5f: {  	v2 =	vor.u32 v2, v3;
	vm1 =	vgt.u32 v4, v1  }
0x60: {  	v3 =	vnsel vm1, $0x7FFFFFFF, v2;
	v4 =	vor.u32 $0x80, v2;
	v5 =	vor.u32 $0x100, v2  }
0x61: {  	v2 =	vor.u32 $0x180, v2;
	_ =	sdelay $0x1  }
0x62: {  	v4 =	vnsel vm1, $0x7FFFFFFF, v4  }
0x63: {  	s20 =	sadd.s32 s17, s16;
	s17 =	smov.u32 s21;
	(ifvalue) =	ssetifvalue $0x7FFFFFFF  }
0x64: {  	[tilespmem:s20], [sflag:$0x1] =	stream.indirect_vreg.gather [hbm4b:s2+s10], $0x1, v3, vm0, $0x4038;
	[tilespmem:$0x500] =	vst v63  }
0x65: {  	v3 =	vnsel vm1, $0x7FFFFFFF, v5;
	(ifvalue) =	ssetifvalue $0x7FFFFFFF  }
0x66: {  	s21 =	sadd.s32 $0x80, s20;
	(ifvalue) =	ssetifvalue $0x7FFFFFFF  }
0x67: {  	[tilespmem:s21], [sflag:$0x1] =	stream.indirect_vreg.gather [hbm4b:s2+s10], $0x1, v4, vm0, $0x4038;
	[tilespmem:$0x500] =	vst v63  }
.Ltmp3:
0x68: {  	v2 =	vnsel vm1, $0x7FFFFFFF, v2;
	(ifvalue) =	ssetifvalue $0x7FFFFFFF;
	(pc) =	sbr.rel @p1 .LBB2_3-.Ltmp3, $4  }
0x69: {  	s21 =	sadd.s32 $0x100, s20;
	(ifvalue) =	ssetifvalue $0x7FFFFFFF  }
0x6a: {  	[tilespmem:s21], [sflag:$0x1] =	stream.indirect_vreg.gather [hbm4b:s2+s10], $0x1, v3, vm0, $0x4038;
	[tilespmem:$0x500] =	vst v63  }
0x6b: {  	s18 =	sadd.s32 $0xFFFFFFF0, s18;
	(ifvalue) =	ssetifvalue $0x7FFFFFFF  }
0x6c: {  	s21 =	sadd.s32 $0x180, s20;
	s20 =	smov.u32 s19;
	(ifvalue) =	ssetifvalue $0x7FFFFFFF  }
.Ltmp4:
0x6d: {  	_ = 	snop;
	(pc) =	sbr.rel .LBB2_4-.Ltmp4, $1  }
0x6e: {  	_ =	sdelay $0x3  }
.LBB2_6:
0x6f: {  	_ =	sfence.sel $0x180000  }
0x70: {  	s2 =	simm.s32 $0x2;
	[bflag:$0x0] =	sbarrier.arrive $0xFFFF  }
0x71: {  	s30 =	simm.s32 $0x3;
	[sflag:s2] =	ssyncpa.u1 $0x1  }
0x72: {  	s31 =	simm.s32 $0x1;
	[sflag:s30] =	ssyncpa.u1 $0x1  }
0x73: {  	[sflag:s31] =	ssyncpa.u1 $0x1  }
0x74: {  	p0 =	sne.s32 s0, $0x0;
	_ =	strace $0x9000004A  }
0x75: {  	s0 =	sadd.s32 @!p0 $0x100000, s1;
	[bflag:$0x2] =	sbarrier.arrive $0xFFFF  }
0x76: {  	[sflag:s0] =	ssyncadd.tile.s32 @!p0 $0x1;
	_ =	shalt  }
.Lfunc_end2:
_tile_overlayer_lowered:
.L_overlay_start_2:
0x77: {  	(tag) =	ssettag $0x2  }
0x78: {  	s0 =	rddreg [dreg:$0x0];
	s2 =	stileid.u32  }
0x79: {  	s1 =	rddreg [dreg:$0x1];
	p0 =	sne.s32 s2, $0x0  }
0x7a: {  	s3 =	rddreg [dreg:$0x2];
	[bflag:$0x3] =	sbarrier.arrive $0xFFFF;
	s2 =	simm.s32 @!p0 $0x1C01  }
0x7b: {  	[timem:s3], [sflag:s2] =	dma.local @!p0 [hbm:s0], s1  }
0x7c: {  	s0 =	simm.s32 @!p0 $0x1  }
0x7d: {  	_ =	swait.ge @!p0 [sflag:s0], s1  }
0x7e: {  	s1 =	ssub.s32 @!p0 $0x0, s1;
	[sflag:s0] =	ssyncset.done @!p0 $0x0  }
0x7f: {  	[sflag:s0] =	ssyncadd.s32 @!p0 s1  }
0x80: {  	[bflag:$0x3] =	sbarrier.arrive $0xFFFF  }
0x81: {  	_ =	shalt  }

// kernel: gather_offload_async_start.2
scs
__scs_entry_jumppad:
0x0: {  	(pc) =	sbr.rel $0x88, $3  }
0x1: {  	(tag) =	ssettag $0x0;
	lr =	simm.s32 $0x1  }
0x2: {  	[smem:$0x3F9E] =	sst lr;
	_ =	strace $0xD0000000  }
0x3: {  	_ = 	snop  }
0x4: {  	_ = 	snop  }
0x5: {  	_ = 	snop  }
0x6: {  	_ = 	snop  }
0x7: {  	_ = 	snop  }
__scs_overlays_trampoline_lowered:
0x8: {  	[smem:$0x3FAD] =	sst s0  }
0x9: {  	[smem:$0x3FAE] =	sst s1  }
0xa: {  	[smem:$0x3FAF] =	sst s2  }
0xb: {  	[smem:$0x3FB0] =	sst s3  }
0xc: {  	[smem:$0x3FB1] =	sst s4  }
0xd: {  	[smem:$0x3FB2] =	sst s5  }
0xe: {  	[smem:$0x3FB3] =	sst s6  }
0xf: {  	[smem:$0x3FB4] =	sst s7  }
0x10: {  	[smem:$0x3FB5] =	sst s8  }
0x11: {  	[smem:$0x3FB6] =	sst s9;
	s0 =	simm.s32 @!p0 $0x0  }
0x12: {  	s1 =	sld [smem:$0x3F9C];
	s0 =	simm.s32 @p0 $0x1  }
0x13: {  	[smem:$0x3FB7] =	sst s0;
	s0 =	simm.s32 @!p1 $0x0  }
0x14: {  	s2 =	sld [smem:$0x3F9B];
	s0 =	simm.s32 @p1 $0x1  }
0x15: {  	[smem:$0x3FB8] =	sst s0;
	s0 =	simm.s32 @!p2 $0x0  }
0x16: {  	s3 =	sld [smem:$0x3FDB];
	s0 =	simm.s32 @p2 $0x1  }
0x17: {  	s4 =	simm.s32 $0x1BF5;
	[smem:$0x3FBA] =	sst s0  }
0x18: {  	s0 =	sld [smem:$0x3F9D];
	_ =	swait.ge [sflag:s4], $0x0  }
0x19: {  	s7 =	sld [smem:$0x3F9E]  }
0x1a: {  	s8 =	sadd.s32 $0xFFFFE003, lr  }
0x1b: {  	s9 =	sadd.s32 $0xFFFFFEF7, lr;
	s5 =	simm.s32 $0xFFFFFFFF;
	p2 =	slt.u32 s8, $0xFFFFF086  }
0x1c: {  	p1 =	slt.u32 s9, $0xF7A;
	s5 =	simm.s32 @!p2 $0x0  }
0x1d: {  	s5 =	simm.s32 @p1 $0x1;
	p0 =	seq.s32 s7, s2  }
0x1e: {  	s7 =	smul.u32 @!p0 $0xF7A, s2;
	p2 =	seq.s32 @!p0 s5, $0x0  }
0x1f: {  	s9 =	smul.u32 $0xF7A, s1;
	s8 =	simm.s32 @!p0 $0x1BF5;
	p2 =	por !p2, p0  }
0x20: {  	[sflag:s8] =	ssyncset.s32 @!p0 $0xFFFFF086;
	s6 =	sadd.s32 @!p0 s3, s7;
	s7 =	simm.s32 @!p0 $0x108  }
0x21: {  	s3 =	sadd.s32 s3, s9;
	s6 =	sadd.s32 @!p0 $0x88, s6;
	s7 =	simm.s32 @p2 $0x1082  }
0x22: {  	[simem:s7], [sflag:s8] =	dma.local @!p0 [hbm:s6], $0xF7A  }
0x23: {  	s9 =	sor.u32 $0xD0000000, s2;
	s6 =	simm.s32 $0x108;
	_ =	swait.ge @!p0 [sflag:s8], $0x0  }
0x24: {  	s3 =	sadd.s32 $0x88, s3;
	s6 =	simm.s32 @!p1 $0x1082;
	[sflag:s4] =	ssyncset.s32 $0xFFFFF086  }
0x25: {  	[simem:s6], [sflag:s4] =	dma.local [hbm:s3], $0xF7A  }
0x26: {  	[smem:$0x3F9E] =	sst s1;
	(tag) =	ssettag s2;
	_ =	strace s9  }
0x27: {  	s1 =	sld [smem:$0x3FAE]  }
0x28: {  	s2 =	sld [smem:$0x3FAF]  }
0x29: {  	s4 =	sld [smem:$0x3FB1]  }
0x2a: {  	p0 =	seq.s32 s5, $0x0;
	s5 =	sld [smem:$0x3FB2]  }
0x2b: {  	s6 =	sld [smem:$0x3FB3]  }
0x2c: {  	s7 =	sld [smem:$0x3FB4]  }
0x2d: {  	s3 =	simm.s32 $0x108;
	s8 =	sld [smem:$0x3FB5]  }
0x2e: {  	s3 =	simm.s32 @!p0 $0x1082;
	s9 =	sld [smem:$0x3FB6]  }
0x2f: {  	lr =	sadd.s32 s0, s3;
	s0 =	sld [smem:$0x3FAD]  }
0x30: {  	s3 =	sld [smem:$0x3FB0]  }
0x31: {  	[smem:$0x3FB9] =	sst s10  }
0x32: {  	s10 =	sld [smem:$0x3FB7];
	_ =	sdelay $0x3  }
0x33: {  	p0 =	seq.s32 s10, $0x1;
	s10 =	sld [smem:$0x3FB9];
	_ =	sdelay $0x3  }
0x34: {  	[smem:$0x3FB9] =	sst s10  }
0x35: {  	s10 =	sld [smem:$0x3FB8];
	_ =	sdelay $0x3  }
0x36: {  	p1 =	seq.s32 s10, $0x1;
	s10 =	sld [smem:$0x3FB9];
	_ =	sdelay $0x3  }
0x37: {  	[smem:$0x3FB9] =	sst s10  }
0x38: {  	s10 =	sld [smem:$0x3FBA]  }
0x39: {  	_ = 	snop;
	(pc) =	sbr.ind lr, $3  }
0x3a: {  	_ = 	snop  }
0x3b: {  	_ = 	snop  }
0x3c: {  	p2 =	seq.s32 s10, $0x1;
	s10 =	sld [smem:$0x3FB9]  }
0x3d: {  	_ =	shalt  }
0x3e: {  	_ =	shalt  }
0x3f: {  	_ =	shalt  }
0x40: {  	_ =	shalt  }
0x41: {  	_ =	shalt  }
0x42: {  	_ =	shalt  }
0x43: {  	_ =	shalt  }
0x44: {  	_ =	shalt  }
0x45: {  	_ =	shalt  }
0x46: {  	_ =	shalt  }
0x47: {  	_ =	shalt  }
0x48: {  	_ =	shalt  }
0x49: {  	_ =	shalt  }
0x4a: {  	_ =	shalt  }
0x4b: {  	_ =	shalt  }
0x4c: {  	_ =	shalt  }
0x4d: {  	_ =	shalt  }
0x4e: {  	_ =	shalt  }
0x4f: {  	_ =	shalt  }
0x50: {  	_ =	shalt  }
0x51: {  	_ =	shalt  }
0x52: {  	_ =	shalt  }
0x53: {  	_ =	shalt  }
0x54: {  	_ =	shalt  }
0x55: {  	_ =	shalt  }
0x56: {  	_ =	shalt  }
0x57: {  	_ =	shalt  }
0x58: {  	_ =	shalt  }
0x59: {  	_ =	shalt  }
0x5a: {  	_ =	shalt  }
0x5b: {  	_ =	shalt  }
0x5c: {  	_ =	shalt  }
0x5d: {  	_ =	shalt  }
0x5e: {  	_ =	shalt  }
0x5f: {  	_ =	shalt  }
0x60: {  	_ =	shalt  }
0x61: {  	_ =	shalt  }
0x62: {  	_ =	shalt  }
0x63: {  	_ =	shalt  }
0x64: {  	_ =	shalt  }
0x65: {  	_ =	shalt  }
0x66: {  	_ =	shalt  }
0x67: {  	_ =	shalt  }
0x68: {  	_ =	shalt  }
0x69: {  	_ =	shalt  }
0x6a: {  	_ =	shalt  }
0x6b: {  	_ =	shalt  }
0x6c: {  	_ =	shalt  }
0x6d: {  	_ =	shalt  }
0x6e: {  	_ =	shalt  }
0x6f: {  	_ =	shalt  }
0x70: {  	_ =	shalt  }
0x71: {  	_ =	shalt  }
0x72: {  	_ =	shalt  }
0x73: {  	_ =	shalt  }
0x74: {  	_ =	shalt  }
0x75: {  	_ =	shalt  }
0x76: {  	_ =	shalt  }
0x77: {  	_ =	shalt  }
0x78: {  	_ =	shalt  }
0x79: {  	_ =	shalt  }
0x7a: {  	_ =	shalt  }
0x7b: {  	_ =	shalt  }
0x7c: {  	_ =	shalt  }
0x7d: {  	_ =	shalt  }
0x7e: {  	_ =	shalt  }
0x7f: {  	_ =	shalt  }
0x80: {  	_ =	shalt  }
0x81: {  	_ =	shalt  }
0x82: {  	_ =	shalt  }
0x83: {  	_ =	shalt  }
0x84: {  	_ =	shalt  }
0x85: {  	_ =	shalt  }
0x86: {  	_ =	shalt  }
0x87: {  	_ =	shalt  }
.Lfunc_end0:
.L_simem_size_0:
called_computation.2_lowered:
.L_overlay_start_0:
0x88: {  	s2 =	sld [smem:$0x3FD9]  }
0x89: {  	s3 =	sld [smem:$0x3FFE];
	_ =	sdelay $0x1  }
0x8a: {  	s1 =	srdreg.scid  }
0x8b: {  	s0 =	sand.u32 $0x1, s1  }
0x8c: {  	s17 =	sshll.u32 s0, $0xA;
	s2 =	sadd.s32 s3, s2  }
0x8d: {  	s2 =	sadd.s32 s2, s17  }
0x8e: {  	[smem:$0x3FC5] =	sst s2  }
0x8f: {  	_ = 	snop  }
0x90: {  	s2 =	sld [smem:$0x3FC8]  }
0x91: {  	s18 =	sld [smem:$0x3FD0];
	(tm) =	ssettm $0x1  }
0x92: {  	s4 =	sld [smem:$0x3FFB];
	_ =	sdelay $0x3  }
0x93: {  	_ =	strace s4  }
0x94: {  	s4 =	sld [smem:$0x3FFC];
	_ =	sdelay $0x3  }
0x95: {  	_ =	strace s4  }
0x96: {  	s4 =	sld [smem:$0x3FFD];
	_ =	sdelay $0x3  }
0x97: {  	_ =	strace s4  }
0x98: {  	_ =	strace $0x8FFFFFFF  }
0x99: {  	s19 =	sld [smem:$0x3FDB];
	_ =	sdelay $0x1  }
0x9a: {  	s5 =	simm.s32 $_scs_section_size  }
0x9b: {  	s6 =	simm.s32 $_size__tile_overlayer_lowered;
	s7 =	simm.s32 $_tile_overlayer_lowered  }
0x9c: {  	s22 =	simm.s32 $0x1BFF;
	s21 =	sshll.u32 s7, $0x1;
	s4 =	sadd.s32 s5, s19  }
0x9d: {  	s8 =	simm.s32 $0x0;
	s20 =	sshll.u32 s6, $0x1;
	s6 =	sadd.s32 s21, s4  }
0x9e: {  	[timem:s8], [sflag:s22] =	dma.local [hbm:s6], s20  }
0x9f: {  	_ =	swait.ge [sflag:s22], s20  }
0xa0: {  	s5 =	ssub.s32 $0x0, s20;
	[sflag:s22] =	ssyncset.done $0x0  }
0xa1: {  	[sflag:s22] =	ssyncadd.s32 s5;
	_ =	sdelay $0x1  }
0xa2: {  	s23 =	simm.s32 $0x1B8B  }
0xa3: {  	_ =	swait.ge [sflag:s23], $0x1  }
0xa4: {  	[sflag:s23] =	ssyncset.done $0x0  }
0xa5: {  	s25 =	simm.s32 $0x1B8E;
	s24 =	sld [smem:$0x3FFE];
	[sflag:s23] =	ssyncadd.s32 $0xFFFFFFFF  }
0xa6: {  	s26 =	simm.s32 $execute0_lowered;
	[smem:$0x3FD2] =	sst s25  }
0xa7: {  	s6 =	sshll.u32 s26, $0x1;
	_ =	strace $0x80000046;
	[dreg:$0x1] =	wrdreg $0xFFFFFFFF  }
0xa8: {  	s28 =	simm.s32 $_size_execute0_lowered;
	s4 =	sadd.s32 s4, s6;
	[dreg:$0x0] =	wrdreg $0x0  }
0xa9: {  	s6 =	sshll.u32 s28, $0x1;
	[dreg:$0x2] =	wrdreg s4  }
0xaa: {  	[dreg:$0x3] =	wrdreg s6  }
0xab: {  	[dreg:$0x4] =	wrdreg $0xC0  }
0xac: {  	_ =	task [dreg:s8], $0x5FFFF  }
0xad: {  	[dreg:$0x1] =	wrdreg $0xFFFFFFFF  }
0xae: {  	[dreg:$0x0] =	wrdreg $0x60  }
0xaf: {  	[dreg:$0x2] =	wrdreg s2  }
0xb0: {  	[dreg:$0x3] =	wrdreg s18  }
0xb1: {  	[dreg:$0x4] =	wrdreg s24  }
0xb2: {  	[dreg:$0x5] =	wrdreg $0xA  }
0xb3: {  	_ =	task.clear_ibuf [dreg:s8], $0x6FFFF;
	_ =	strace $0x90000046  }
0xb4: {  	s29 =	simm.s32 $0xA;
	_ =	strace $0x80000048  }
0xb5: {  	_ =	swait.ge [sflag:s29], $0x1  }
0xb6: {  	[sflag:s29] =	ssyncadd.s32 $0xFFFFFFFF  }
0xb7: {  	_ =	strace $0x90000048  }
0xb8: {  	_ =	sfence  }
0xb9: {  	s30 =	sld [smem:$0x0];
	_ =	sdelay $0x2  }
0xba: {  	s31 =	sshll.u32 s1, $0xD;
	s1 =	sshrl.u32 s1, $0x2  }
0xbb: {  	s3 =	sand.u32 $0x4000, s31;
	s1 =	sadd.s32 s1, s30  }
0xbc: {  	s0 =	sor.u32 s3, s0;
	s1 =	sshll.u32 s1, $0x11  }
0xbd: {  	s0 =	sor.u32 s1, s0  }
0xbe: {  	s0 =	sadd.s32 $0x8F2B, s0  }
0xbf: {  	[sflag:s0] =	ssyncadd.remote.s32 $0x1  }
0xc0: {  	_ =	sfence.sel $0xFFFF  }
0xc1: {  	[dreg:$0x0] =	wrdreg $0xFFFFFFFF;
	(pc) =	sbr.abs _section_cstart, $3  }
0xc2: {  	[dreg:$0x1] =	wrdreg $0xFFFFFFFF  }
0xc3: {  	_ =	task.clear_ibuf [dreg:s8], $0x2FFFF;
	_ =	strace $0x9FFFFFFF  }
0xc4: {  	(tm) =	ssettm $0x7FFFFFFF  }
0xc5: {  	_ =	shalt  }
tec
execute0_lowered:
.L_overlay_start_1:
0x0: {  	(tag) =	ssettag $0x1  }
0x1: {  	s2 =	rddreg [dreg:$0x0]  }
0x2: {  	s1 =	srdreg.scid;
	s3 =	rddreg [dreg:$0x1]  }
0x3: {  	s0 =	stileid.u32;
	s5 =	rddreg [dreg:$0x2]  }
0x4: {  	s9 =	simm.s32 $0x1;
	s10 =	simm.s32 $0x3;
	s1 =	sshll.u32 s1, $0x7  }
0x5: {  	s13 =	simm.s32 $0x0;
	s4 =	sshll.u32 s0, $0x8;
	s6 =	sand.u32 $0x80, s1  }
0x6: {  	s12 =	simm.s32 $0x0;
	s5 =	sadd.s32 $0x10000, s5;
	s4 =	sor.u32 s4, s6  }
0x7: {  	s1 =	rddreg [dreg:$0x3];
	_ =	strace $0x80000047;
	s8 =	ssub.s32 $0x2F00, s4  }
.Ltmp0:
0x8: {  	s6 =	simm.s32 $0x1;
	s7 =	sand.u32 $0xF80, s8;
	(pc) =	sbr.rel .LBB2_1-.Ltmp0, $4  }
0x9: {  	[sflag:s6] =	ssyncpa.u1 $0x0;
	s11 =	smov.u32 s4;
	p0 =	sne.s32 s7, $0x0  }
0xa: {  	s8 =	sshrl.u32 s8, $0xC;
	s7 =	simm.s32 $0x2;
	s9 =	simm.s32 @!p0 $0x0  }
0xb: {  	[sflag:s7] =	ssyncpa.u1 $0x0;
	p0 =	por $0x0, $0x0;
	s8 =	sadd.s32 s9, s8  }
0xc: {  	vm0 =	vmmov $0xffff;
	v0 =	vimm.s32 $0x0;
	v1 =	vlaneseq.u32;
	[sflag:s10] =	ssyncpa.u1 $0x0;
	s10 =	simm.s32 $0x0;
	s9 =	sadd.s32 $0x1, s8  }
.LBB2_4:
0xd: {  	_ =	sdelay $0x3  }
0xe: {  	[tilespmem:s21], [sflag:$0x1] =	stream.indirect_vreg.gather [hbm4b:s2+s10], $0x1, v2, vm0, $0x4038;
	[tilespmem:$0x500] =	vst v63  }
0xf: {  	s15 =	sadd.s32 s17, s15  }
0x10: {  	v2 =	vld.msk [tilespmem:s15+$0x0 ss:$0x1], $0xffff;
	_ =	sdelay $0x4  }
0x11: {  	v3 =	vshrl.u32 v2, $0x1  }
0x12: {  	v4 =	vand.u32 $0x1, v2;
	vm1 =	veq.s32 v2, $0x80000000;
	v2 =	vand.u32 $0x3FFFF, v3  }
0x13: {  	p1 =	sgt.s32 s18, $0x0;
	vm2 =	veq.s32 v4, $0x1;
	v2 =	vsel vm1, $0xFFFFFFFF, v2  }
0x14: {  	s18 =	simm.s32 @!p1 $0x0;
	v3 =	vsel vm2, $0xFFC00, v0;
	v61 =	vshll.u32 v2, $0x2  }
0x15: {  	s26 =	smin.u32 s18, $0x10;
	v3 =	vsel vm1, $0xFFF00400, v3;
	v4 =	vand.u32 $0xFFFFFE00, v61  }
0x16: {  	v62 =	vmov s26;
	v2 =	vand.u32 $0x7F, v2;
	v3 =	vadd.s32 v3, v4  }
0x17: {  	vm1 =	vgt.u32 v62, v1;
	v2 =	vor.u32 v2, v3  }
0x18: {  	v3 =	vnsel vm1, $0x7FFFFFFF, v2;
	_ =	sdelay $0x1  }
0x19: {  	v63 =	vor.u32 $0x80, v2  }
0x1a: {  	(ifvalue) =	ssetifvalue $0x7FFFFFFF;
	v4 =	vnsel vm1, $0x7FFFFFFF, v63  }
0x1b: {  	s28 =	sadd.s32 s17, s16;
	(ifvalue) =	ssetifvalue $0x7FFFFFFF  }
0x1c: {  	v5 =	vor.u32 $0x100, v2;
	[tilespmem:s28], [sflag:$0x1] =	stream.indirect_vreg.gather [hbm4b:s2+s10], $0x1, v3, vm0, $0x4038;
	[tilespmem:$0x500] =	vst v63  }
0x1d: {  	(ifvalue) =	ssetifvalue $0x7FFFFFFF;
	v3 =	vnsel vm1, $0x7FFFFFFF, v5  }
0x1e: {  	s16 =	sadd.s32 $0x80, s28;
	(ifvalue) =	ssetifvalue $0x7FFFFFFF  }
0x1f: {  	v2 =	vor.u32 $0x180, v2;
	[tilespmem:s16], [sflag:$0x1] =	stream.indirect_vreg.gather [hbm4b:s2+s10], $0x1, v4, vm0, $0x4038;
	[tilespmem:$0x500] =	vst v63  }
0x20: {  	v2 =	vnsel vm1, $0x7FFFFFFF, v2;
	(ifvalue) =	ssetifvalue $0x7FFFFFFF  }
0x21: {  	s29 =	sadd.s32 $0x100, s28;
	(ifvalue) =	ssetifvalue $0x7FFFFFFF  }
0x22: {  	[tilespmem:s29], [sflag:$0x1] =	stream.indirect_vreg.gather [hbm4b:s2+s10], $0x1, v3, vm0, $0x4038;
	[tilespmem:$0x500] =	vst v63  }
0x23: {  	(ifvalue) =	ssetifvalue $0x7FFFFFFF  }
0x24: {  	s30 =	sshll.u32 s13, $0x2;
	s15 =	sadd.s32 $0x180, s28;
	(ifvalue) =	ssetifvalue $0x7FFFFFFF  }
0x25: {  	[tilespmem:s15], [sflag:$0x1] =	stream.indirect_vreg.gather [hbm4b:s2+s10], $0x1, v2, vm0, $0x4038;
	[tilespmem:$0x500] =	vst v63  }
0x26: {  	s31 =	sand.u32 $0x78, s13;
	s15 =	sand.u32 $0xFFFFFE00, s30  }
0x27: {  	_ =	swait.ge [sflag:s6], $0x200;
	s13 =	sor.u32 s31, s15  }
0x28: {  	[sflag:s6] =	ssyncset.done $0x0;
	s13 =	sshrl.u32 s13, $0x3  }
0x29: {  	[sflag:s6] =	ssyncadd.s32 $0xFFFFFE00;
	s13 =	sadd.s32 s5, s13  }
0x2a: {  	[hbm:s13] =	stream.linear.scatter [tilespmem:s14], [sflag:$0x3], $0x200, $0x38;
	[tilespmem:$0x500] =	vst v63  }
.LBB2_5:
0x2b: {  	s15 =	sadd.s32 $0x1000, s11  }
0x2c: {  	p2 =	sgt.s32 s15, $0x2EFF  }
0x2d: {  	s15 =	smov.u32 @p2 s4;
	p2 =	sne.s32 s12, s9  }
.Ltmp1:
0x2e: {  	p1 =	slt.u32 s12, $0x2;
	(pc) =	sbr.rel @!p2 .LBB2_6-.Ltmp1, $4  }
0x2f: {  	s14 =	simm.s32 @!p1 $0x3  }
0x30: {  	s16 =	sadd.s32 $0x1, s12;
	_ =	swait.ge @!p1 [sflag:s14], $0x200  }
0x31: {  	s13 =	smov.u32 s11;
	p0 =	por !p0, !p0;
	[sflag:s14] =	ssyncset.done @!p1 $0x0  }
0x32: {  	s12 =	smov.u32 s16;
	s11 =	smov.u32 s15;
	[sflag:s14] =	ssyncadd.s32 @!p1 $0xFFFFFE00  }
.LBB2_1:
0x33: {  	p1 =	sge.u32 s12, s8  }
0x34: {  	s14 =	sxor.u32 @!p1 $0xFFFFFFFF, s12  }
0x35: {  	s31 =	sadd.s32 $0xFFFFFFFF, s12;
	s15 =	sshrl.u32 @!p1 s11, $0x3;
	s14 =	sshll.u32 @!p1 s14, $0x7  }
0x36: {  	s16 =	sand.u32 @!p1 $0x7, s11;
	s15 =	sadd.s32 @!p1 s3, s15;
	s14 =	sand.u32 @!p1 $0x80, s14  }
0x37: {  	[tilespmem:s14], [sflag:$0x2] =	stream.linear.gather @!p1 [hbm4b:s15+s16], $0x80, $0x38;
	[tilespmem:$0x500] =	vst v63  }
0x38: {  	p1 =	sge.u32 s31, s8  }
.Ltmp2:
0x39: {  	_ = 	snop;
	(pc) =	sbr.rel @p1 .LBB2_5-.Ltmp2, $1  }
0x3a: {  	_ =	sdelay $0x3  }
0x3b: {  	s14 =	simm.s32 $0x1  }
0x3c: {  	_ =	swait.ge [sflag:s7], $0x80;
	s14 =	simm.s32 @!p0 $0x0  }
0x3d: {  	[sflag:s7] =	ssyncset.done $0x0;
	s15 =	sshll.u32 s14, $0x7  }
0x3e: {  	[sflag:s7] =	ssyncadd.s32 $0xFFFFFF80;
	s16 =	sadd.s32 $0x0, s15  }
0x3f: {  	v2 =	vld.msk [tilespmem:s16+$0x0 ss:$0x1], $0xffff;
	_ =	sdelay $0x3  }
0x40: {  	s18 =	ssub.s32 $0x2EE0, s13  }
0x41: {  	p1 =	slt.s32 s18, $0x80;
	v3 =	vshrl.u32 v2, $0x1  }
0x42: {  	s18 =	simm.s32 @!p1 $0x80;
	v4 =	vand.u32 $0x1, v2;
	vm1 =	veq.s32 v2, $0x80000000;
	v2 =	vand.u32 $0x3FFFF, v3  }
0x43: {  	p1 =	sgt.s32 s18, $0x0;
	s16 =	smov.u32 s18;
	vm2 =	veq.s32 v4, $0x1;
	v2 =	vsel vm1, $0xFFFFFFFF, v2  }
0x44: {  	s16 =	simm.s32 @!p1 $0x0;
	v3 =	vsel vm2, $0xFFC00, v0;
	v61 =	vshll.u32 v2, $0x2  }
0x45: {  	s16 =	smin.u32 s16, $0x10;
	v3 =	vsel vm1, $0xFFF00400, v3;
	v4 =	vand.u32 $0xFFFFFE00, v61  }
0x46: {  	v62 =	vmov s16;
	v2 =	vand.u32 $0x7F, v2;
	v3 =	vadd.s32 v3, v4  }
0x47: {  	vm1 =	vgt.u32 v62, v1;
	v2 =	vor.u32 v2, v3  }
0x48: {  	v3 =	vnsel vm1, $0x7FFFFFFF, v2;
	_ =	sdelay $0x1  }
0x49: {  	s14 =	sshll.u32 s14, $0x9;
	v63 =	vor.u32 $0x80, v2  }
0x4a: {  	(ifvalue) =	ssetifvalue $0x7FFFFFFF;
	s16 =	sor.u32 $0x100, s14;
	v4 =	vnsel vm1, $0x7FFFFFFF, v63  }
0x4b: {  	(ifvalue) =	ssetifvalue $0x7FFFFFFF;
	s19 =	sadd.s32 $0x0, s16  }
0x4c: {  	v5 =	vor.u32 $0x100, v2;
	[tilespmem:s19], [sflag:$0x1] =	stream.indirect_vreg.gather [hbm4b:s2+s10], $0x1, v3, vm0, $0x4038;
	[tilespmem:$0x500] =	vst v63  }
0x4d: {  	(ifvalue) =	ssetifvalue $0x7FFFFFFF;
	v3 =	vnsel vm1, $0x7FFFFFFF, v5  }
0x4e: {  	s17 =	sadd.s32 $0x80, s19;
	(ifvalue) =	ssetifvalue $0x7FFFFFFF  }
0x4f: {  	v2 =	vor.u32 $0x180, v2;
	[tilespmem:s17], [sflag:$0x1] =	stream.indirect_vreg.gather [hbm4b:s2+s10], $0x1, v4, vm0, $0x4038;
	[tilespmem:$0x500] =	vst v63  }
0x50: {  	s30 =	sshll.u32 s12, $0x9;
	s20 =	simm.s32 $0x80;
	v2 =	vnsel vm1, $0x7FFFFFFF, v2;
	(ifvalue) =	ssetifvalue $0x7FFFFFFF  }
0x51: {  	s14 =	sand.u32 $0x200, s30;
	s31 =	sadd.s32 $0x100, s19;
	(ifvalue) =	ssetifvalue $0x7FFFFFFF  }
0x52: {  	[tilespmem:s31], [sflag:$0x1] =	stream.indirect_vreg.gather [hbm4b:s2+s10], $0x1, v3, vm0, $0x4038;
	[tilespmem:$0x500] =	vst v63  }
0x53: {  	s18 =	sadd.s32 $0xFFFFFFF0, s18;
	s14 =	sor.u32 $0x100, s14;
	(ifvalue) =	ssetifvalue $0x7FFFFFFF  }
0x54: {  	s21 =	sadd.s32 $0x180, s19;
	s17 =	simm.s32 $0x10;
	(ifvalue) =	ssetifvalue $0x7FFFFFFF  }
.LBB2_3:
0x55: {  	[tilespmem:s21], [sflag:$0x1] =	stream.indirect_vreg.gather [hbm4b:s2+s10], $0x1, v2, vm0, $0x4038;
	[tilespmem:$0x500] =	vst v63  }
0x56: {  	s19 =	smov.u32 s20  }
0x57: {  	s22 =	sadd.s32 s17, s15;
	s21 =	sshra.s32 s19, $0x2;
	s19 =	sadd.s32 $0x40, s20  }
0x58: {  	p1 =	sne.s32 s20, $0x1C0;
	v2 =	vld.msk [tilespmem:s22+$0x0 ss:$0x1], $0xffff  }
0x59: {  	(ifvalue) =	ssetifvalue $0x7FFFFFFF;
	_ =	sdelay $0x4  }
0x5a: {  	v3 =	vshrl.u32 v2, $0x1;
	v4 =	vand.u32 $0x1, v2  }
0x5b: {  	vm1 =	veq.s32 v2, $0x80000000;
	v2 =	vand.u32 $0x3FFFF, v3;
	vm2 =	veq.s32 v4, $0x1  }
0x5c: {  	p2 =	sgt.s32 s18, $0x0;
	s20 =	smov.u32 s18;
	v2 =	vsel vm1, $0xFFFFFFFF, v2;
	v3 =	vsel vm2, $0xFFC00, v0  }
0x5d: {  	s20 =	simm.s32 @!p2 $0x0;
	v3 =	vsel vm1, $0xFFF00400, v3;
	v4 =	vshll.u32 v2, $0x2  }
0x5e: {  	s20 =	smin.u32 s20, $0x10;
	v4 =	vand.u32 $0xFFFFFE00, v4  }
0x5f: {  	v2 =	vand.u32 $0x7F, v2;
	v3 =	vadd.s32 v3, v4;
	v4 =	vmov s20  }
0x60: {  	v2 =	vor.u32 v2, v3;
	vm1 =	vgt.u32 v4, v1  }
0x61: {  	v3 =	vnsel vm1, $0x7FFFFFFF, v2;
	v4 =	vor.u32 $0x80, v2;
	v5 =	vor.u32 $0x100, v2  }
0x62: {  	v2 =	vor.u32 $0x180, v2;
	_ =	sdelay $0x1  }
0x63: {  	v4 =	vnsel vm1, $0x7FFFFFFF, v4  }
0x64: {  	s20 =	sadd.s32 s17, s16;
	s17 =	smov.u32 s21;
	(ifvalue) =	ssetifvalue $0x7FFFFFFF  }
0x65: {  	[tilespmem:s20], [sflag:$0x1] =	stream.indirect_vreg.gather [hbm4b:s2+s10], $0x1, v3, vm0, $0x4038;
	[tilespmem:$0x500] =	vst v63  }
0x66: {  	v3 =	vnsel vm1, $0x7FFFFFFF, v5;
	(ifvalue) =	ssetifvalue $0x7FFFFFFF  }
0x67: {  	s21 =	sadd.s32 $0x80, s20;
	(ifvalue) =	ssetifvalue $0x7FFFFFFF  }
0x68: {  	[tilespmem:s21], [sflag:$0x1] =	stream.indirect_vreg.gather [hbm4b:s2+s10], $0x1, v4, vm0, $0x4038;
	[tilespmem:$0x500] =	vst v63  }
.Ltmp3:
0x69: {  	v2 =	vnsel vm1, $0x7FFFFFFF, v2;
	(ifvalue) =	ssetifvalue $0x7FFFFFFF;
	(pc) =	sbr.rel @p1 .LBB2_3-.Ltmp3, $4  }
0x6a: {  	s21 =	sadd.s32 $0x100, s20;
	(ifvalue) =	ssetifvalue $0x7FFFFFFF  }
0x6b: {  	[tilespmem:s21], [sflag:$0x1] =	stream.indirect_vreg.gather [hbm4b:s2+s10], $0x1, v3, vm0, $0x4038;
	[tilespmem:$0x500] =	vst v63  }
0x6c: {  	s18 =	sadd.s32 $0xFFFFFFF0, s18;
	(ifvalue) =	ssetifvalue $0x7FFFFFFF  }
0x6d: {  	s21 =	sadd.s32 $0x180, s20;
	s20 =	smov.u32 s19;
	(ifvalue) =	ssetifvalue $0x7FFFFFFF  }
.Ltmp4:
0x6e: {  	_ = 	snop;
	(pc) =	sbr.rel .LBB2_4-.Ltmp4, $1  }
0x6f: {  	_ =	sdelay $0x3  }
.LBB2_6:
0x70: {  	_ =	sfence.sel $0x180000  }
0x71: {  	s2 =	simm.s32 $0x2;
	[bflag:$0x0] =	sbarrier.arrive $0xFFFF  }
0x72: {  	s30 =	simm.s32 $0x3;
	[sflag:s2] =	ssyncpa.u1 $0x1  }
0x73: {  	s31 =	simm.s32 $0x1;
	[sflag:s30] =	ssyncpa.u1 $0x1  }
0x74: {  	[sflag:s31] =	ssyncpa.u1 $0x1  }
0x75: {  	p0 =	sne.s32 s0, $0x0;
	_ =	strace $0x90000047  }
0x76: {  	s0 =	sadd.s32 @!p0 $0x100000, s1;
	[bflag:$0x2] =	sbarrier.arrive $0xFFFF  }
0x77: {  	[sflag:s0] =	ssyncadd.tile.s32 @!p0 $0x1;
	_ =	shalt  }
.Lfunc_end2:
_tile_overlayer_lowered:
.L_overlay_start_2:
0x78: {  	(tag) =	ssettag $0x2  }
0x79: {  	s0 =	rddreg [dreg:$0x0];
	s2 =	stileid.u32  }
0x7a: {  	s1 =	rddreg [dreg:$0x1];
	p0 =	sne.s32 s2, $0x0  }
0x7b: {  	s3 =	rddreg [dreg:$0x2];
	[bflag:$0x3] =	sbarrier.arrive $0xFFFF;
	s2 =	simm.s32 @!p0 $0x1C01  }
0x7c: {  	[timem:s3], [sflag:s2] =	dma.local @!p0 [hbm:s0], s1  }
0x7d: {  	s0 =	simm.s32 @!p0 $0x1  }
0x7e: {  	_ =	swait.ge @!p0 [sflag:s0], s1  }
0x7f: {  	s1 =	ssub.s32 @!p0 $0x0, s1;
	[sflag:s0] =	ssyncset.done @!p0 $0x0  }
0x80: {  	[sflag:s0] =	ssyncadd.s32 @!p0 s1  }
0x81: {  	[bflag:$0x3] =	sbarrier.arrive $0xFFFF  }
0x82: {  	_ =	shalt  }

// kernel: gather_offload_async_start
scs
__scs_entry_jumppad:
0x0: {  	(pc) =	sbr.rel $0x88, $3  }
0x1: {  	(tag) =	ssettag $0x0;
	lr =	simm.s32 $0x1  }
0x2: {  	[smem:$0x3F9E] =	sst lr;
	_ =	strace $0xD0000000  }
0x3: {  	_ = 	snop  }
0x4: {  	_ = 	snop  }
0x5: {  	_ = 	snop  }
0x6: {  	_ = 	snop  }
0x7: {  	_ = 	snop  }
__scs_overlays_trampoline_lowered:
0x8: {  	[smem:$0x3FAD] =	sst s0  }
0x9: {  	[smem:$0x3FAE] =	sst s1  }
0xa: {  	[smem:$0x3FAF] =	sst s2  }
0xb: {  	[smem:$0x3FB0] =	sst s3  }
0xc: {  	[smem:$0x3FB1] =	sst s4  }
0xd: {  	[smem:$0x3FB2] =	sst s5  }
0xe: {  	[smem:$0x3FB3] =	sst s6  }
0xf: {  	[smem:$0x3FB4] =	sst s7  }
0x10: {  	[smem:$0x3FB5] =	sst s8  }
0x11: {  	[smem:$0x3FB6] =	sst s9;
	s0 =	simm.s32 @!p0 $0x0  }
0x12: {  	s1 =	sld [smem:$0x3F9C];
	s0 =	simm.s32 @p0 $0x1  }
0x13: {  	[smem:$0x3FB7] =	sst s0;
	s0 =	simm.s32 @!p1 $0x0  }
0x14: {  	s2 =	sld [smem:$0x3F9B];
	s0 =	simm.s32 @p1 $0x1  }
0x15: {  	[smem:$0x3FB8] =	sst s0;
	s0 =	simm.s32 @!p2 $0x0  }
0x16: {  	s3 =	sld [smem:$0x3FDB];
	s0 =	simm.s32 @p2 $0x1  }
0x17: {  	s4 =	simm.s32 $0x1BF5;
	[smem:$0x3FBA] =	sst s0  }
0x18: {  	s0 =	sld [smem:$0x3F9D];
	_ =	swait.ge [sflag:s4], $0x0  }
0x19: {  	s7 =	sld [smem:$0x3F9E]  }
0x1a: {  	s8 =	sadd.s32 $0xFFFFE003, lr  }
0x1b: {  	s9 =	sadd.s32 $0xFFFFFEF7, lr;
	s5 =	simm.s32 $0xFFFFFFFF;
	p2 =	slt.u32 s8, $0xFFFFF086  }
0x1c: {  	p1 =	slt.u32 s9, $0xF7A;
	s5 =	simm.s32 @!p2 $0x0  }
0x1d: {  	s5 =	simm.s32 @p1 $0x1;
	p0 =	seq.s32 s7, s2  }
0x1e: {  	s7 =	smul.u32 @!p0 $0xF7A, s2;
	p2 =	seq.s32 @!p0 s5, $0x0  }
0x1f: {  	s9 =	smul.u32 $0xF7A, s1;
	s8 =	simm.s32 @!p0 $0x1BF5;
	p2 =	por !p2, p0  }
0x20: {  	[sflag:s8] =	ssyncset.s32 @!p0 $0xFFFFF086;
	s6 =	sadd.s32 @!p0 s3, s7;
	s7 =	simm.s32 @!p0 $0x108  }
0x21: {  	s3 =	sadd.s32 s3, s9;
	s6 =	sadd.s32 @!p0 $0x88, s6;
	s7 =	simm.s32 @p2 $0x1082  }
0x22: {  	[simem:s7], [sflag:s8] =	dma.local @!p0 [hbm:s6], $0xF7A  }
0x23: {  	s9 =	sor.u32 $0xD0000000, s2;
	s6 =	simm.s32 $0x108;
	_ =	swait.ge @!p0 [sflag:s8], $0x0  }
0x24: {  	s3 =	sadd.s32 $0x88, s3;
	s6 =	simm.s32 @!p1 $0x1082;
	[sflag:s4] =	ssyncset.s32 $0xFFFFF086  }
0x25: {  	[simem:s6], [sflag:s4] =	dma.local [hbm:s3], $0xF7A  }
0x26: {  	[smem:$0x3F9E] =	sst s1;
	(tag) =	ssettag s2;
	_ =	strace s9  }
0x27: {  	s1 =	sld [smem:$0x3FAE]  }
0x28: {  	s2 =	sld [smem:$0x3FAF]  }
0x29: {  	s4 =	sld [smem:$0x3FB1]  }
0x2a: {  	p0 =	seq.s32 s5, $0x0;
	s5 =	sld [smem:$0x3FB2]  }
0x2b: {  	s6 =	sld [smem:$0x3FB3]  }
0x2c: {  	s7 =	sld [smem:$0x3FB4]  }
0x2d: {  	s3 =	simm.s32 $0x108;
	s8 =	sld [smem:$0x3FB5]  }
0x2e: {  	s3 =	simm.s32 @!p0 $0x1082;
	s9 =	sld [smem:$0x3FB6]  }
0x2f: {  	lr =	sadd.s32 s0, s3;
	s0 =	sld [smem:$0x3FAD]  }
0x30: {  	s3 =	sld [smem:$0x3FB0]  }
0x31: {  	[smem:$0x3FB9] =	sst s10  }
0x32: {  	s10 =	sld [smem:$0x3FB7];
	_ =	sdelay $0x3  }
0x33: {  	p0 =	seq.s32 s10, $0x1;
	s10 =	sld [smem:$0x3FB9];
	_ =	sdelay $0x3  }
0x34: {  	[smem:$0x3FB9] =	sst s10  }
0x35: {  	s10 =	sld [smem:$0x3FB8];
	_ =	sdelay $0x3  }
0x36: {  	p1 =	seq.s32 s10, $0x1;
	s10 =	sld [smem:$0x3FB9];
	_ =	sdelay $0x3  }
0x37: {  	[smem:$0x3FB9] =	sst s10  }
0x38: {  	s10 =	sld [smem:$0x3FBA]  }
0x39: {  	_ = 	snop;
	(pc) =	sbr.ind lr, $3  }
0x3a: {  	_ = 	snop  }
0x3b: {  	_ = 	snop  }
0x3c: {  	p2 =	seq.s32 s10, $0x1;
	s10 =	sld [smem:$0x3FB9]  }
0x3d: {  	_ =	shalt  }
0x3e: {  	_ =	shalt  }
0x3f: {  	_ =	shalt  }
0x40: {  	_ =	shalt  }
0x41: {  	_ =	shalt  }
0x42: {  	_ =	shalt  }
0x43: {  	_ =	shalt  }
0x44: {  	_ =	shalt  }
0x45: {  	_ =	shalt  }
0x46: {  	_ =	shalt  }
0x47: {  	_ =	shalt  }
0x48: {  	_ =	shalt  }
0x49: {  	_ =	shalt  }
0x4a: {  	_ =	shalt  }
0x4b: {  	_ =	shalt  }
0x4c: {  	_ =	shalt  }
0x4d: {  	_ =	shalt  }
0x4e: {  	_ =	shalt  }
0x4f: {  	_ =	shalt  }
0x50: {  	_ =	shalt  }
0x51: {  	_ =	shalt  }
0x52: {  	_ =	shalt  }
0x53: {  	_ =	shalt  }
0x54: {  	_ =	shalt  }
0x55: {  	_ =	shalt  }
0x56: {  	_ =	shalt  }
0x57: {  	_ =	shalt  }
0x58: {  	_ =	shalt  }
0x59: {  	_ =	shalt  }
0x5a: {  	_ =	shalt  }
0x5b: {  	_ =	shalt  }
0x5c: {  	_ =	shalt  }
0x5d: {  	_ =	shalt  }
0x5e: {  	_ =	shalt  }
0x5f: {  	_ =	shalt  }
0x60: {  	_ =	shalt  }
0x61: {  	_ =	shalt  }
0x62: {  	_ =	shalt  }
0x63: {  	_ =	shalt  }
0x64: {  	_ =	shalt  }
0x65: {  	_ =	shalt  }
0x66: {  	_ =	shalt  }
0x67: {  	_ =	shalt  }
0x68: {  	_ =	shalt  }
0x69: {  	_ =	shalt  }
0x6a: {  	_ =	shalt  }
0x6b: {  	_ =	shalt  }
0x6c: {  	_ =	shalt  }
0x6d: {  	_ =	shalt  }
0x6e: {  	_ =	shalt  }
0x6f: {  	_ =	shalt  }
0x70: {  	_ =	shalt  }
0x71: {  	_ =	shalt  }
0x72: {  	_ =	shalt  }
0x73: {  	_ =	shalt  }
0x74: {  	_ =	shalt  }
0x75: {  	_ =	shalt  }
0x76: {  	_ =	shalt  }
0x77: {  	_ =	shalt  }
0x78: {  	_ =	shalt  }
0x79: {  	_ =	shalt  }
0x7a: {  	_ =	shalt  }
0x7b: {  	_ =	shalt  }
0x7c: {  	_ =	shalt  }
0x7d: {  	_ =	shalt  }
0x7e: {  	_ =	shalt  }
0x7f: {  	_ =	shalt  }
0x80: {  	_ =	shalt  }
0x81: {  	_ =	shalt  }
0x82: {  	_ =	shalt  }
0x83: {  	_ =	shalt  }
0x84: {  	_ =	shalt  }
0x85: {  	_ =	shalt  }
0x86: {  	_ =	shalt  }
0x87: {  	_ =	shalt  }
.Lfunc_end0:
.L_simem_size_0:
called_computation_lowered:
.L_overlay_start_0:
0x88: {  	s2 =	sld [smem:$0x3FD9]  }
0x89: {  	s3 =	sld [smem:$0x3FFE];
	_ =	sdelay $0x1  }
0x8a: {  	s1 =	srdreg.scid  }
0x8b: {  	s0 =	sand.u32 $0x1, s1  }
0x8c: {  	s17 =	sshll.u32 s0, $0xA;
	s2 =	sadd.s32 s3, s2  }
0x8d: {  	s2 =	sadd.s32 s2, s17  }
0x8e: {  	[smem:$0x3FC5] =	sst s2  }
0x8f: {  	_ = 	snop  }
0x90: {  	s2 =	sld [smem:$0x3FD0];
	(tm) =	ssettm $0x1  }
0x91: {  	s18 =	sld [smem:$0x3FFB];
	_ =	sdelay $0x3  }
0x92: {  	_ =	strace s18  }
0x93: {  	s3 =	sld [smem:$0x3FFC];
	_ =	sdelay $0x3  }
0x94: {  	_ =	strace s3  }
0x95: {  	s3 =	sld [smem:$0x3FFD];
	_ =	sdelay $0x3  }
0x96: {  	_ =	strace s3  }
0x97: {  	_ =	strace $0x8FFFFFFF  }
0x98: {  	s19 =	sld [smem:$0x3FDB];
	_ =	sdelay $0x1  }
0x99: {  	s4 =	simm.s32 $_scs_section_size  }
0x9a: {  	s5 =	simm.s32 $_size__tile_overlayer_lowered;
	s6 =	simm.s32 $_tile_overlayer_lowered  }
0x9b: {  	s22 =	simm.s32 $0x1BFF;
	s21 =	sshll.u32 s6, $0x1;
	s3 =	sadd.s32 s4, s19  }
0x9c: {  	s7 =	simm.s32 $0x0;
	s20 =	sshll.u32 s5, $0x1;
	s5 =	sadd.s32 s21, s3  }
0x9d: {  	[timem:s7], [sflag:s22] =	dma.local [hbm:s5], s20  }
0x9e: {  	_ =	swait.ge [sflag:s22], s20  }
0x9f: {  	s4 =	ssub.s32 $0x0, s20;
	[sflag:s22] =	ssyncset.done $0x0  }
0xa0: {  	[sflag:s22] =	ssyncadd.s32 s4;
	_ =	sdelay $0x1  }
0xa1: {  	s23 =	simm.s32 $0x1B8B  }
0xa2: {  	_ =	swait.ge [sflag:s23], $0x1  }
0xa3: {  	[sflag:s23] =	ssyncset.done $0x0  }
0xa4: {  	s25 =	simm.s32 $0x1B8E;
	s24 =	sld [smem:$0x3FFE];
	[sflag:s23] =	ssyncadd.s32 $0xFFFFFFFF  }
0xa5: {  	s26 =	simm.s32 $execute0_lowered;
	[smem:$0x3FD2] =	sst s25  }
0xa6: {  	s5 =	sshll.u32 s26, $0x1;
	_ =	strace $0x8000004C;
	[dreg:$0x1] =	wrdreg $0xFFFFFFFF  }
0xa7: {  	s28 =	simm.s32 $_size_execute0_lowered;
	s3 =	sadd.s32 s3, s5;
	[dreg:$0x0] =	wrdreg $0x0  }
0xa8: {  	s5 =	sshll.u32 s28, $0x1;
	[dreg:$0x2] =	wrdreg s3  }
0xa9: {  	[dreg:$0x3] =	wrdreg s5  }
0xaa: {  	[dreg:$0x4] =	wrdreg $0xC0  }
0xab: {  	_ =	task [dreg:s7], $0x5FFFF  }
0xac: {  	[dreg:$0x1] =	wrdreg $0xFFFFFFFF  }
0xad: {  	[dreg:$0x0] =	wrdreg $0x60  }
0xae: {  	[dreg:$0x2] =	wrdreg s24  }
0xaf: {  	[dreg:$0x3] =	wrdreg s2  }
0xb0: {  	[dreg:$0x4] =	wrdreg $0x9  }
0xb1: {  	_ =	task.clear_ibuf [dreg:s7], $0x5FFFF;
	_ =	strace $0x9000004C  }
0xb2: {  	s29 =	simm.s32 $0x9;
	_ =	strace $0x8000004E  }
0xb3: {  	_ =	swait.ge [sflag:s29], $0x1  }
0xb4: {  	[sflag:s29] =	ssyncadd.s32 $0xFFFFFFFF  }
0xb5: {  	_ =	strace $0x9000004E  }
0xb6: {  	_ =	sfence  }
0xb7: {  	s30 =	sld [smem:$0x0];
	_ =	sdelay $0x2  }
0xb8: {  	s31 =	sshll.u32 s1, $0xD;
	s1 =	sshrl.u32 s1, $0x2  }
0xb9: {  	s3 =	sand.u32 $0x4000, s31;
	s1 =	sadd.s32 s1, s30  }
0xba: {  	s0 =	sor.u32 s3, s0;
	s1 =	sshll.u32 s1, $0x11  }
0xbb: {  	s0 =	sor.u32 s1, s0  }
0xbc: {  	s0 =	sadd.s32 $0x8F2B, s0  }
0xbd: {  	[sflag:s0] =	ssyncadd.remote.s32 $0x1  }
0xbe: {  	_ =	sfence.sel $0xFFFF  }
0xbf: {  	[dreg:$0x0] =	wrdreg $0xFFFFFFFF;
	(pc) =	sbr.abs _section_cstart, $3  }
0xc0: {  	[dreg:$0x1] =	wrdreg $0xFFFFFFFF  }
0xc1: {  	_ =	task.clear_ibuf [dreg:s7], $0x2FFFF;
	_ =	strace $0x9FFFFFFF  }
0xc2: {  	(tm) =	ssettm $0x7FFFFFFF  }
0xc3: {  	_ =	shalt  }
tec
execute0_lowered:
.L_overlay_start_1:
0x0: {  	(tag) =	ssettag $0x1  }
0x1: {  	s0 =	srdreg.scid  }
0x2: {  	s1 =	sshll.u32 s0, $0x4  }
0x3: {  	s0 =	stileid.u32;
	s1 =	sand.u32 $0x10, s1  }
0x4: {  	s2 =	sor.u32 s0, s1  }
0x5: {  	s1 =	smin.u32 s2, $0x12  }
0x6: {  	s1 =	sadd.s32 s2, s1  }
0x7: {  	p0 =	slt.u32 s2, $0x12;
	s2 =	simm.s32 $0xA0;
	s1 =	smul.u32 $0x50, s1  }
0x8: {  	s2 =	simm.s32 @!p0 $0x50  }
0x9: {  	s2 =	sadd.s32 s2, s1  }
0xa: {  	s3 =	smin.u32 s2, $0xFA0  }
0xb: {  	s7 =	ssub.s32 s3, s1  }
0xc: {  	p0 =	sgt.s32 s7, $0x0  }
0xd: {  	s7 =	simm.s32 @!p0 $0x0  }
0xe: {  	s4 =	rddreg [dreg:$0x0];
	s31 =	smul.u32 $0xCCCD, s7  }
0xf: {  	s5 =	rddreg [dreg:$0x1]  }
0x10: {  	s6 =	simm.s32 $0x1;
	s10 =	simm.s32 $0x3;
	s8 =	sshrl.u32 s31, $0x16  }
0x11: {  	s13 =	simm.s32 $0x0;
	s12 =	simm.s32 $0x0;
	s9 =	smul.u32 $0x50, s8  }
.Ltmp0:
0x12: {  	s11 =	smov.u32 s1;
	s2 =	rddreg [dreg:$0x2];
	(pc) =	sbr.rel .LBB2_1-.Ltmp0, $4  }
0x13: {  	_ =	strace $0x8000004D;
	p0 =	sne.s32 s7, s9;
	s9 =	simm.s32 $0x1  }
0x14: {  	[sflag:s6] =	ssyncpa.u1 $0x0;
	s7 =	simm.s32 $0x2;
	s9 =	simm.s32 @!p0 $0x0  }
0x15: {  	[sflag:s7] =	ssyncpa.u1 $0x0;
	p0 =	por $0x0, $0x0;
	s8 =	sadd.s32 s8, s9  }
0x16: {  	v0 =	vimm.s32 $0x0;
	vm0 =	vmmov $0xff;
	vm1 =	vcmask $0x3F20;
	s9 =	sadd.s32 $0x2F000, s4;
	[sflag:s10] =	ssyncpa.u1 $0x0;
	s10 =	sadd.s32 $0x1, s8  }
.LBB2_6:
0x17: {  	[hbm:s17] =	stream.linear.scatter [tilespmem:s14], [sflag:$0x3], $0x400, $0x38;
	[tilespmem:$0x50A0] =	vst v63  }
.LBB2_7:
0x18: {  	s13 =	sadd.s32 $0x50, s11  }
0x19: {  	s15 =	smov.u32 s1;
	p2 =	slt.s32 s13, s3  }
0x1a: {  	s15 =	smov.u32 @p2 s13;
	p2 =	sne.s32 s12, s10  }
.Ltmp1:
0x1b: {  	p1 =	slt.u32 s12, $0x2;
	(pc) =	sbr.rel @!p2 .LBB2_8-.Ltmp1, $4  }
0x1c: {  	s14 =	simm.s32 @!p1 $0x3  }
0x1d: {  	s16 =	sadd.s32 $0x1, s12;
	_ =	swait.ge @!p1 [sflag:s14], $0x2800  }
0x1e: {  	p0 =	por !p0, !p0;
	s13 =	smov.u32 s11;
	[sflag:s14] =	ssyncset.done @!p1 $0x0  }
0x1f: {  	s12 =	smov.u32 s16;
	s11 =	smov.u32 s15;
	[sflag:s14] =	ssyncadd.s32 @!p1 $0xFFFFD800  }
.LBB2_1:
0x20: {  	p1 =	sge.u32 s12, s8  }
0x21: {  	s14 =	sxor.u32 @!p1 $0xFFFFFFFF, s12  }
0x22: {  	s14 =	sand.u32 @!p1 $0x1, s14  }
0x23: {  	s14 =	smul.u32 @!p1 $0x140, s14  }
0x24: {  	s31 =	sadd.s32 $0xFFFFFFFF, s12;
	s15 =	sshrl.u32 @!p1 s11, $0x3  }
0x25: {  	s16 =	sand.u32 @!p1 $0x7, s11;
	s15 =	sadd.s32 @!p1 s5, s15;
	s14 =	sshrl.u32 @!p1 s14, $0x2  }
0x26: {  	[tilespmem:s14], [sflag:$0x2] =	stream.linear.gather @!p1 [hbm4b:s15+s16], $0x50, $0x38;
	[tilespmem:$0x50A0] =	vst v63  }
0x27: {  	p1 =	sge.u32 s31, s8  }
.Ltmp2:
0x28: {  	_ = 	snop;
	(pc) =	sbr.rel @p1 .LBB2_7-.Ltmp2, $1  }
0x29: {  	_ =	sdelay $0x3  }
0x2a: {  	s14 =	simm.s32 $0x1  }
0x2b: {  	s14 =	simm.s32 @!p0 $0x0  }
0x2c: {  	s15 =	smul.u32 $0x140, s14  }
0x2d: {  	_ =	swait.ge [sflag:s7], $0x50  }
0x2e: {  	[sflag:s7] =	ssyncset.done $0x0;
	s16 =	sshrl.u32 s15, $0x2  }
0x2f: {  	[sflag:s7] =	ssyncadd.s32 $0xFFFFFFB0;
	s15 =	sadd.s32 $0x0, s16  }
0x30: {  	v1 =	vld.msk [tilespmem:s15+$0x0 ss:$0x1], $0xffff;
	_ =	sdelay $0x4  }
0x31: {  	v2 =	vand.u32 $0x1, v1;
	v3 =	vshll.u32 v1, $0x6  }
0x32: {  	vm2 =	veq.s32 v1, $0x80000000;
	vm3 =	veq.s32 v2, $0x1;
	v1 =	vand.u32 $0xFFF80, v3  }
0x33: {  	v2 =	vsel vm3, $0xBC000, v0;
	v1 =	vsel vm2, $0xFFFFFF80, v1  }
0x34: {  	v2 =	vsel vm2, $0xFFF44000, v2;
	v3 =	vand.u32 $0xFFFFFC00, v1  }
0x35: {  	v1 =	vand.u32 $0x380, v1;
	v2 =	vadd.s32 v2, v3  }
0x36: {  	v1 =	vor.u32 v1, v2  }
0x37: {  	v1 =	vshrl.u32 v1, $0x3  }
0x38: {  	s14 =	smul.u32 $0xA000, s14;
	_ =	sdelay $0x1  }
0x39: {  	s14 =	sshrl.u32 s14, $0x2  }
0x3a: {  	s14 =	sor.u32 $0xA0, s14  }
0x3b: {  	[tilespmem:s14], [sflag:$0x1] =	stream.indirect_vreg.gather [hbm:s4], $0x80, v1, vm0, $0x38;
	[tilespmem:$0x50A0] =	vst v63  }
0x3c: {  	s17 =	sadd.s32 $0x10, s16;
	s15 =	sadd.s32 $0x400, s14  }
0x3d: {  	[tilespmem:s15], [sflag:$0x1] =	stream.indirect_vreg.gather [hbm:s4], $0x80, v1, vm1, $0x38;
	[tilespmem:$0x50A0] =	vst v63  }
0x3e: {  	s18 =	simm.s32 $0x80;
	v1 =	vld.msk [tilespmem:s17+$0x0 ss:$0x1], $0xffff;
	s17 =	smov.u32 s14  }
.LBB2_3:
0x3f: {  	p1 =	sne.s32 s18, $0x100;
	_ =	sdelay $0x4  }
0x40: {  	v2 =	vand.u32 $0x1, v1;
	v3 =	vshll.u32 v1, $0x6  }
0x41: {  	vm2 =	veq.s32 v1, $0x80000000;
	vm3 =	veq.s32 v2, $0x1;
	v1 =	vand.u32 $0xFFF80, v3  }
0x42: {  	v2 =	vsel vm3, $0xBC000, v0;
	v1 =	vsel vm2, $0xFFFFFF80, v1  }
0x43: {  	v2 =	vsel vm2, $0xFFF44000, v2;
	v3 =	vand.u32 $0xFFFFFC00, v1  }
0x44: {  	v1 =	vand.u32 $0x380, v1;
	v2 =	vadd.s32 v2, v3  }
0x45: {  	v1 =	vor.u32 v1, v2  }
0x46: {  	v1 =	vshrl.u32 v1, $0x3;
	_ =	sdelay $0x3  }
.Ltmp3:
0x47: {  	s19 =	sshra.s32 s18, $0x2;
	s17 =	sadd.s32 $0x800, s17;
	(pc) =	sbr.rel @p1 .LBB2_3-.Ltmp3, $4  }
0x48: {  	[tilespmem:s17], [sflag:$0x1] =	stream.indirect_vreg.gather [hbm:s4], $0x80, v1, vm0, $0x38;
	[tilespmem:$0x50A0] =	vst v63  }
0x49: {  	s19 =	sadd.s32 s19, s16;
	s20 =	sadd.s32 $0x400, s17  }
0x4a: {  	[tilespmem:s20], [sflag:$0x1] =	stream.indirect_vreg.gather [hbm:s4], $0x80, v1, vm1, $0x38;
	[tilespmem:$0x50A0] =	vst v63  }
0x4b: {  	s18 =	sadd.s32 $0x40, s18;
	v1 =	vld.msk [tilespmem:s19+$0x0 ss:$0x1], $0xffff  }
0x4c: {  	_ =	sdelay $0x3  }
0x4d: {  	v2 =	vand.u32 $0x1, v1;
	v3 =	vshll.u32 v1, $0x6  }
0x4e: {  	vm2 =	veq.s32 v1, $0x80000000;
	vm3 =	veq.s32 v2, $0x1;
	v1 =	vand.u32 $0xFFF80, v3  }
0x4f: {  	v2 =	vsel vm3, $0xBC000, v0;
	v1 =	vsel vm2, $0xFFFFFF80, v1  }
0x50: {  	v2 =	vsel vm2, $0xFFF44000, v2;
	v3 =	vand.u32 $0xFFFFFC00, v1  }
0x51: {  	v1 =	vand.u32 $0x380, v1;
	v2 =	vadd.s32 v2, v3  }
0x52: {  	v1 =	vor.u32 v1, v2  }
0x53: {  	v1 =	vshrl.u32 v1, $0x3;
	_ =	sdelay $0x3  }
0x54: {  	s16 =	sadd.s32 $0x800, s17  }
0x55: {  	[tilespmem:s16], [sflag:$0x1] =	stream.indirect_vreg.gather [hbm:s4], $0x80, v1, vm0, $0x38;
	[tilespmem:$0x50A0] =	vst v63  }
0x56: {  	s16 =	sadd.s32 $0x400, s16  }
0x57: {  	[tilespmem:s16], [sflag:$0x1] =	stream.indirect_vreg.gather [hbm:s4], $0x80, v1, vm1, $0x38;
	[tilespmem:$0x50A0] =	vst v63  }
0x58: {  	s13 =	sshll.u32 s13, $0x4;
	_ =	swait.ge [sflag:s6], $0x2800  }
0x59: {  	s13 =	sadd.s32 s13, s9;
	[sflag:s6] =	ssyncset.done $0x0  }
0x5a: {  	s17 =	sadd.s32 $0x0, s13;
	s16 =	simm.s32 $0x80;
	[sflag:s6] =	ssyncadd.s32 $0xFFFFD800  }
.LBB2_5:
0x5b: {  	[hbm:s17] =	stream.linear.scatter [tilespmem:s14], [sflag:$0x3], $0x400, $0x38;
	[tilespmem:$0x50A0] =	vst v63  }
0x5c: {  	s17 =	smov.u32 s16;
	s14 =	smov.u32 s15;
	p1 =	sne.s32 s16, $0x480  }
.Ltmp4:
0x5d: {  	s16 =	sadd.s32 $0x80, s16;
	(pc) =	sbr.rel @p1 .LBB2_5-.Ltmp4, $2  }
0x5e: {  	_ =	sdelay $0x2  }
0x5f: {  	s15 =	sadd.s32 $0x400, s15;
	s17 =	sadd.s32 s17, s13  }
.Ltmp5:
0x60: {  	_ = 	snop;
	(pc) =	sbr.rel .LBB2_6-.Ltmp5, $1  }
0x61: {  	_ =	sdelay $0x3  }
.LBB2_8:
0x62: {  	_ =	sfence.sel $0x180000  }
0x63: {  	s1 =	simm.s32 $0x2;
	[bflag:$0x0] =	sbarrier.arrive $0xFFFF  }
0x64: {  	s30 =	simm.s32 $0x3;
	[sflag:s1] =	ssyncpa.u1 $0x1  }
0x65: {  	s31 =	simm.s32 $0x1;
	[sflag:s30] =	ssyncpa.u1 $0x1  }
0x66: {  	[sflag:s31] =	ssyncpa.u1 $0x1  }
0x67: {  	p0 =	sne.s32 s0, $0x0;
	_ =	strace $0x9000004D  }
0x68: {  	s0 =	sadd.s32 @!p0 $0x100000, s2;
	[bflag:$0x2] =	sbarrier.arrive $0xFFFF  }
0x69: {  	[sflag:s0] =	ssyncadd.tile.s32 @!p0 $0x1;
	_ =	shalt  }
.Lfunc_end2:
_tile_overlayer_lowered:
.L_overlay_start_2:
0x6a: {  	(tag) =	ssettag $0x2  }
0x6b: {  	s0 =	rddreg [dreg:$0x0];
	s2 =	stileid.u32  }
0x6c: {  	s1 =	rddreg [dreg:$0x1];
	p0 =	sne.s32 s2, $0x0  }
0x6d: {  	s3 =	rddreg [dreg:$0x2];
	[bflag:$0x3] =	sbarrier.arrive $0xFFFF;
	s2 =	simm.s32 @!p0 $0x1C01  }
0x6e: {  	[timem:s3], [sflag:s2] =	dma.local @!p0 [hbm:s0], s1  }
0x6f: {  	s0 =	simm.s32 @!p0 $0x1  }
0x70: {  	_ =	swait.ge @!p0 [sflag:s0], s1  }
0x71: {  	s1 =	ssub.s32 @!p0 $0x0, s1;
	[sflag:s0] =	ssyncset.done @!p0 $0x0  }
0x72: {  	[sflag:s0] =	ssyncadd.s32 @!p0 s1  }
0x73: {  	[bflag:$0x3] =	sbarrier.arrive $0xFFFF  }
0x74: {  	_ =	shalt  }

</sc_bundles>
